<compile_context>
chip_gen: v7x
topology: tpu7x:2x2x1
jax: 0.10.2.dev20260603
libtpu: 0.0.44.dev20260713+nightly
codegen_flags: <defaults>
</compile_context>

<pallas_src>
import functools

import jax
import jax.numpy as jnp
from jax import lax
from jax.experimental import pallas as pl
from jax.experimental.pallas import tpu as pltpu
from jax.experimental.pallas import tpu_sc as plsc

NC = 2
NS = 16
NW = NC * NS
GRP = 128


def _mesh():
    return plsc.VectorSubcoreMesh(
        core_axis_name="c", subcore_axis_name="s", num_cores=NC, num_subcores=NS
    )


def _make_deg_kernel(G, NP):
    RPT = NP // NS

    @functools.partial(
        pl.kernel,
        out_type=jax.ShapeDtypeStruct((NC, NP), jnp.float32),
        mesh=_mesh(),
        scratch_types=[
            pltpu.VMEM((G, GRP), jnp.int32),
            pltpu.VMEM((GRP,), jnp.float32),
            pltpu.VMEM((RPT,), jnp.float32),
            pltpu.VMEM_SHARED((NP,), jnp.float32),
        ],
    )
    def deg_kernel(dst_hbm, out_hbm, idx_v, ones_v, zbuf_v, acc):
        c = lax.axis_index("c")
        s = lax.axis_index("s")
        w = s * NC + c

        def fill_ones(i, _):
            ones_v[pl.ds(i * 16, 16)] = jnp.full((16,), 1.0, jnp.float32)
            return 0

        lax.fori_loop(0, GRP // 16, fill_ones, 0)

        def fill_zeros(i, _):
            zbuf_v[pl.ds(i * 16, 16)] = jnp.zeros((16,), jnp.float32)
            return 0

        lax.fori_loop(0, RPT // 16, fill_zeros, 0)
        pltpu.sync_copy(zbuf_v, acc.at[pl.ds(s * RPT, RPT)])
        plsc.subcore_barrier()

        pltpu.sync_copy(dst_hbm.at[w], idx_v)

        def body(g, _):
            pltpu.sync_copy(ones_v, acc.at[idx_v.at[g]], add=True)
            return 0

        lax.fori_loop(0, G, body, 0)
        plsc.subcore_barrier()
        pltpu.sync_copy(
            acc.at[pl.ds(s * RPT, RPT)], out_hbm.at[c].at[pl.ds(s * RPT, RPT)]
        )

    return deg_kernel


def _make_prop_kernel(G, NP, C):
    RPT = NP // NS
    ZR = 64

    @functools.partial(
        pl.kernel,
        out_type=jax.ShapeDtypeStruct((NC, NP, C), jnp.float32),
        mesh=_mesh(),
        scratch_types=[
            pltpu.VMEM((G, GRP), jnp.int32),
            pltpu.VMEM((G, GRP), jnp.int32),
            pltpu.VMEM((GRP, C), jnp.float32),
            pltpu.VMEM((ZR, C), jnp.float32),
            pltpu.VMEM_SHARED((NP, C), jnp.float32),
            pltpu.SemaphoreType.DMA,
        ],
    )
    def prop_kernel(tab_hbm, src_hbm, dst_hbm, out_hbm,
                    src_v, dst_v, rows_v, zbuf_v, acc, sem):
        c = lax.axis_index("c")
        s = lax.axis_index("s")
        w = s * NC + c
        CV = C // 16

        def fill_zeros(i, _):
            r = i // CV
            k = i % CV
            zbuf_v[r, pl.ds(k * 16, 16)] = jnp.zeros((16,), jnp.float32)
            return 0

        lax.fori_loop(0, ZR * CV, fill_zeros, 0)

        def zero_acc(i, _):
            pltpu.sync_copy(zbuf_v, acc.at[pl.ds(s * RPT + i * ZR, ZR)])
            return 0

        lax.fori_loop(0, RPT // ZR, zero_acc, 0)
        plsc.subcore_barrier()

        pltpu.sync_copy(src_hbm.at[w], src_v)
        pltpu.sync_copy(dst_hbm.at[w], dst_v)

        def body(g, _):
            pltpu.async_copy(tab_hbm.at[src_v.at[g]], rows_v, sem).wait()
            pltpu.sync_copy(rows_v, acc.at[dst_v.at[g]], add=True)
            return 0

        lax.fori_loop(0, G, body, 0)
        plsc.subcore_barrier()
        pltpu.sync_copy(
            acc.at[pl.ds(s * RPT, RPT)], out_hbm.at[c].at[pl.ds(s * RPT, RPT)]
        )

    return prop_kernel


def _stage1(x, W1, degp, N, C1):
    def body(x_ref, w_ref, degp_ref, h_ref, dinv_ref):
        deg = degp_ref[0, :N] + degp_ref[1, :N] + 1.0
        dinv = lax.rsqrt(deg)
        h = jnp.dot(x_ref[...], w_ref[...], preferred_element_type=jnp.float32)
        h_ref[...] = h * dinv[:, None]
        dinv_ref[...] = dinv

    return pl.pallas_call(
        body,
        out_shape=[
            jax.ShapeDtypeStruct((N, C1), jnp.float32),
            jax.ShapeDtypeStruct((N,), jnp.float32),
        ],
    )(x, W1, degp)


def _stage2(p1, h1p, dinv, b1, N, C1):
    def body(p_ref, h1_ref, dinv_ref, b_ref, out_ref):
        pp = p_ref[0, :N, :] + p_ref[1, :N, :]
        dinv = dinv_ref[...]
        hid = dinv[:, None] * (pp + h1_ref[...]) + b_ref[...][None, :]
        out_ref[...] = jnp.maximum(hid, 0.0) * dinv[:, None]

    return pl.pallas_call(
        body,
        out_shape=jax.ShapeDtypeStruct((N, C1), jnp.float32),
    )(p1, h1p, dinv, b1)


def _stage3(p2, h2p, dinv, W2, b2, N, C2):
    def body(p_ref, h2_ref, dinv_ref, w_ref, b_ref, out_ref):
        pp = p_ref[0, :N, :] + p_ref[1, :N, :]
        z = dinv_ref[...][:, None] * (pp + h2_ref[...])
        o = jnp.dot(z, w_ref[...], preferred_element_type=jnp.float32)
        o = o + b_ref[...][None, :]
        m = jnp.max(o, axis=1, keepdims=True)
        lse = jnp.log(jnp.sum(jnp.exp(o - m), axis=1, keepdims=True))
        out_ref[...] = o - m - lse

    return pl.pallas_call(
        body,
        out_shape=jax.ShapeDtypeStruct((N, C2), jnp.float32),
    )(p2, h2p, dinv, W2, b2)


def kernel(x, edge_index, W1, b1, W2, b2):
    N, C1 = x.shape
    C2 = W2.shape[1]
    E = edge_index.shape[1]

    G = -(-E // (NW * GRP))
    EP = NW * G * GRP
    NP = -(-(N + 1) // (NS * 16)) * (NS * 16)

    pad = EP - E
    src = jnp.concatenate([edge_index[0], jnp.zeros((pad,), jnp.int32)])
    dst = jnp.concatenate([edge_index[1], jnp.full((pad,), N, jnp.int32)])
    srcp = src.reshape(NW, G, GRP)
    dstp = dst.reshape(NW, G, GRP)

    prop = _make_prop_kernel(G, NP, C1)
    degp = _make_deg_kernel(G, NP)(dstp)
    h1p, dinv = _stage1(x, W1, degp, N, C1)
    p1 = prop(h1p, srcp, dstp)
    h2p = _stage2(p1, h1p, dinv, b1, N, C1)
    p2 = prop(h2p, srcp, dstp)
    return _stage3(p2, h2p, dinv, W2, b2, N, C2)

# --- scband reference (transcript-rebuilt; emitter-appended) ---
"""Pipeline reference for scband-craph-cnn-2989297238480 (READ-ONLY COPY).

The authoritative reference and input builder live on the scoring server;
editing this copy changes nothing except your own understanding.
"""

import jax, jax.numpy as jnp
import numpy as np

N = 10000
E = 320000
IN_C = 128
HID_C = 128
OUT_C = 64


def setup_inputs(seed: int = 0) -> dict:
    key = jax.random.key(seed)
    k1, k2, k3, k4, k5, k6 = jax.random.split(key, 6)
    x = jax.random.normal(k1, (N, IN_C), dtype=jnp.float32)
    edge_index = jax.random.randint(k2, (2, E), 0, N, dtype=jnp.int32)
    # GCNConv parameters (glorot-style scaling)
    W1 = jax.random.normal(k3, (IN_C, HID_C), dtype=jnp.float32) * (1.0 / np.sqrt(IN_C))
    b1 = jnp.zeros((HID_C,), dtype=jnp.float32)
    W2 = jax.random.normal(k4, (HID_C, OUT_C), dtype=jnp.float32) * (1.0 / np.sqrt(HID_C))
    b2 = jnp.zeros((OUT_C,), dtype=jnp.float32)
    return {"x": x, "edge_index": edge_index, "W1": W1, "b1": b1, "W2": W2, "b2": b2}


def _gcn_layer(x, edge_index, W, b):
    # linear transform first (as in PyG GCNConv)
    h = x @ W
    src = edge_index[0]
    dst = edge_index[1]
    # add self-loops
    loop = jnp.arange(N, dtype=edge_index.dtype)
    src = jnp.concatenate([src, loop])
    dst = jnp.concatenate([dst, loop])
    # symmetric normalization D^{-1/2} (A + I) D^{-1/2}
    deg = jnp.zeros((N,), dtype=h.dtype).at[dst].add(1.0)
    deg_inv_sqrt = jnp.where(deg > 0, deg ** -0.5, 0.0)
    norm = deg_inv_sqrt[src] * deg_inv_sqrt[dst]
    # gather -> scale -> scatter-add (segment sum)
    msg = h[src] * norm[:, None]
    out = jax.ops.segment_sum(msg, dst, num_segments=N)
    return out + b


def reference(x, edge_index, W1, b1, W2, b2):
    hid = _gcn_layer(x, edge_index, W1, b1)
    hid = jax.nn.relu(hid)
    out = _gcn_layer(hid, edge_index, W2, b2)
    return jax.nn.log_softmax(out, axis=1)

if __name__ == "__main__":
    import jax
    _d = setup_inputs()
    print(jax.jit(kernel)(*tuple(_d.values())))

</pallas_src>

<mosaic_0001>
#map = affine_map<(d0, d1) -> (0, 0, 0)>
#map1 = affine_map<(d0, d1) -> (0, 0)>
module attributes {stable_mosaic.version = 14 : i64} {
  func.func @deg_kernel(%arg0: i32, %arg1: i32, %arg2: memref<32x79x128xi32, #tpu.memory_space<hbm>>, %arg3: memref<2x10240xf32, #tpu.memory_space<hbm>>, %arg4: memref<79x128xi32, #tpu.memory_space<vmem>>, %arg5: memref<128xf32, #tpu.memory_space<vmem>>, %arg6: memref<640xf32, #tpu.memory_space<vmem>>, %arg7: memref<10240xf32, #tpu.memory_space<vmem_shared>>) attributes {dimension_semantics = [#tpu.dimension_semantics<core_parallel>, #tpu.dimension_semantics<subcore_parallel>], iteration_bounds = array<i64: 2, 16>, scalar_prefetch = 0 : i64, scratch_operands = 4 : i64, tpu.core_type = #tpu.core_type<sc_vector_subcore>, window_params = [{transform_indices = #map}, {transform_indices = #map1}]} {
    %mul3A = arith.constant 2 : i32
    %mul3A_0 = arith.muli %arg1, %mul3A : i32
    %add3A = arith.addi %mul3A_0, %arg0 : i32
    %scan3A = arith.constant 0 : i32
    %scan3A_1 = arith.constant 0 : i32
    %scan3A_2 = arith.constant 8 : i32
    %scan3A_3 = arith.addi %scan3A_1, %scan3A_2 : i32
    %scan3A_4 = arith.constant 1 : i32
    %scan3A_5 = scf.for %scan3A_28 = %scan3A_1 to %scan3A_3 step %scan3A_4 iter_args(%scan3A_29 = %scan3A) -> (i32)  : i32 {
      %broadcast_in_dim3A = arith.constant 1.000000e+00 : f32
      %broadcast_in_dim3A_30 = vector.broadcast %broadcast_in_dim3A : f32 to vector<16xf32>
      %mul3A_31 = arith.constant 16 : i32
      %mul3A_32 = arith.muli %scan3A_28, %mul3A_31 : i32
      %swap3A = arith.index_cast %mul3A_32 : i32 to index
      %swap3A_33 = tpu.vector_load %arg5[%swap3A] {strides = array<i32>} : memref<128xf32, #tpu.memory_space<vmem>>, vector<16xf32>,
      %swap3A_34 = vector.shape_cast %swap3A_33 : vector<16xf32> to vector<16xf32>
      %swap3A_35 = vector.shape_cast %broadcast_in_dim3A_30 : vector<16xf32> to vector<16xf32>
      tpu.vector_store %arg5[%swap3A], %swap3A_35 {strides = array<i32>} : memref<128xf32, #tpu.memory_space<vmem>>, vector<16xf32>,
      %scan3A_36 = arith.constant 0 : i32
      scf.yield %scan3A_36 : i32
    }
    %scan3A_6 = arith.constant 8 : i32
    %scan3A_7 = arith.constant 0 : i32
    %scan3A_8 = arith.constant 0 : i32
    %scan3A_9 = arith.constant 40 : i32
    %scan3A_10 = arith.addi %scan3A_8, %scan3A_9 : i32
    %scan3A_11 = arith.constant 1 : i32
    %scan3A_12 = scf.for %scan3A_28 = %scan3A_8 to %scan3A_10 step %scan3A_11 iter_args(%scan3A_29 = %scan3A_7) -> (i32)  : i32 {
      %broadcast_in_dim3A = arith.constant 0.000000e+00 : f32
      %broadcast_in_dim3A_30 = vector.broadcast %broadcast_in_dim3A : f32 to vector<16xf32>
      %mul3A_31 = arith.constant 16 : i32
      %mul3A_32 = arith.muli %scan3A_28, %mul3A_31 : i32
      %swap3A = arith.index_cast %mul3A_32 : i32 to index
      %swap3A_33 = tpu.vector_load %arg6[%swap3A] {strides = array<i32>} : memref<640xf32, #tpu.memory_space<vmem>>, vector<16xf32>,
      %swap3A_34 = vector.shape_cast %swap3A_33 : vector<16xf32> to vector<16xf32>
      %swap3A_35 = vector.shape_cast %broadcast_in_dim3A_30 : vector<16xf32> to vector<16xf32>
      tpu.vector_store %arg6[%swap3A], %swap3A_35 {strides = array<i32>} : memref<640xf32, #tpu.memory_space<vmem>>, vector<16xf32>,
      %scan3A_36 = arith.constant 0 : i32
      scf.yield %scan3A_36 : i32
    }
    %scan3A_13 = arith.constant 40 : i32
    %mul3A_14 = arith.constant 640 : i32
    %mul3A_15 = arith.muli %arg1, %mul3A_14 : i32
    "tpu.region"() ({
      %run_scoped3A = tpu.sem_alloc : memref<!tpu.dma_semaphore, #tpu.memory_space<semaphore_mem>>
      %dma_start3A = tpu.memref_slice %arg7[%mul3A_15] : memref<10240xf32, #tpu.memory_space<vmem_shared>> -> memref<640xf32, #tpu.memory_space<vmem_shared>>
      %dma_start3A_28 = tpu.memref_slice %arg7[%mul3A_15] : memref<10240xf32, #tpu.memory_space<vmem_shared>> -> memref<640xf32, #tpu.memory_space<vmem_shared>>
      tpu.enqueue_dma source(%arg6 : memref<640xf32, #tpu.memory_space<vmem>>) target(%dma_start3A_28 : memref<640xf32, #tpu.memory_space<vmem_shared>>) target_semaphore(%run_scoped3A : memref<!tpu.dma_semaphore, #tpu.memory_space<semaphore_mem>>)
      %dma_wait3A = tpu.memref_slice %arg7[%mul3A_15] : memref<10240xf32, #tpu.memory_space<vmem_shared>> -> memref<640xf32, #tpu.memory_space<vmem_shared>>
      %dma_wait3A_29 = tpu.memref_slice %arg7[%mul3A_15] : memref<10240xf32, #tpu.memory_space<vmem_shared>> -> memref<640xf32, #tpu.memory_space<vmem_shared>>
      tpu.wait_dma2 semaphore(%run_scoped3A : memref<!tpu.dma_semaphore, #tpu.memory_space<semaphore_mem>>) src(%arg6 : memref<640xf32, #tpu.memory_space<vmem>>) dst(%dma_wait3A_29 : memref<640xf32, #tpu.memory_space<vmem_shared>>)
      tpu.yield
    }) : () -> ()
    %barrier3A = arith.constant 0 : index
    tpu.barrier barrier_id(%barrier3A)
    "tpu.region"() ({
      %run_scoped3A = tpu.sem_alloc : memref<!tpu.dma_semaphore, #tpu.memory_space<semaphore_mem>>
      %dma_start3A = arith.constant 0 : i32
      %dma_start3A_28 = arith.constant 0 : i32
      %dma_start3A_29 = tpu.memref_slice %arg2[%add3A, %dma_start3A, %dma_start3A_28] : memref<32x79x128xi32, #tpu.memory_space<hbm>> -> memref<1x79x128xi32, #tpu.memory_space<hbm>>
      %dma_start3A_30 = tpu.memref_squeeze %dma_start3A_29 : memref<1x79x128xi32, #tpu.memory_space<hbm>> -> memref<79x128xi32, #tpu.memory_space<hbm>>
      %dma_start3A_31 = arith.constant 0 : i32
      %dma_start3A_32 = arith.constant 0 : i32
      %dma_start3A_33 = tpu.memref_slice %arg2[%add3A, %dma_start3A_31, %dma_start3A_32] : memref<32x79x128xi32, #tpu.memory_space<hbm>> -> memref<1x79x128xi32, #tpu.memory_space<hbm>>
      %dma_start3A_34 = tpu.memref_squeeze %dma_start3A_33 : memref<1x79x128xi32, #tpu.memory_space<hbm>> -> memref<79x128xi32, #tpu.memory_space<hbm>>
      tpu.enqueue_dma source(%dma_start3A_34 : memref<79x128xi32, #tpu.memory_space<hbm>>) target(%arg4 : memref<79x128xi32, #tpu.memory_space<vmem>>) target_semaphore(%run_scoped3A : memref<!tpu.dma_semaphore, #tpu.memory_space<semaphore_mem>>)
      %dma_wait3A = arith.constant 0 : i32
      %dma_wait3A_35 = arith.constant 0 : i32
      %dma_wait3A_36 = tpu.memref_slice %arg2[%add3A, %dma_wait3A, %dma_wait3A_35] : memref<32x79x128xi32, #tpu.memory_space<hbm>> -> memref<1x79x128xi32, #tpu.memory_space<hbm>>
      %dma_wait3A_37 = tpu.memref_squeeze %dma_wait3A_36 : memref<1x79x128xi32, #tpu.memory_space<hbm>> -> memref<79x128xi32, #tpu.memory_space<hbm>>
      %dma_wait3A_38 = arith.constant 0 : i32
      %dma_wait3A_39 = arith.constant 0 : i32
      %dma_wait3A_40 = tpu.memref_slice %arg2[%add3A, %dma_wait3A_38, %dma_wait3A_39] : memref<32x79x128xi32, #tpu.memory_space<hbm>> -> memref<1x79x128xi32, #tpu.memory_space<hbm>>
      %dma_wait3A_41 = tpu.memref_squeeze %dma_wait3A_40 : memref<1x79x128xi32, #tpu.memory_space<hbm>> -> memref<79x128xi32, #tpu.memory_space<hbm>>
      tpu.wait_dma2 semaphore(%run_scoped3A : memref<!tpu.dma_semaphore, #tpu.memory_space<semaphore_mem>>) src(%dma_wait3A_41 : memref<79x128xi32, #tpu.memory_space<hbm>>) dst(%arg4 : memref<79x128xi32, #tpu.memory_space<vmem>>)
      tpu.yield
    }) : () -> ()
    %scan3A_16 = arith.constant 0 : i32
    %scan3A_17 = arith.constant 0 : i32
    %scan3A_18 = arith.constant 79 : i32
    %scan3A_19 = arith.addi %scan3A_17, %scan3A_18 : i32
    %scan3A_20 = arith.constant 1 : i32
    %scan3A_21 = scf.for %scan3A_28 = %scan3A_17 to %scan3A_19 step %scan3A_20 iter_args(%scan3A_29 = %scan3A_16) -> (i32)  : i32 {
      "tpu.region"() ({
        %run_scoped3A = tpu.sem_alloc : memref<!tpu.dma_semaphore, #tpu.memory_space<semaphore_mem>>
        %dma_start3A = arith.constant 0 : i32
        %dma_start3A_31 = tpu.memref_slice %arg4[%scan3A_28, %dma_start3A] : memref<79x128xi32, #tpu.memory_space<vmem>> -> memref<1x128xi32, #tpu.memory_space<vmem>>
        %dma_start3A_32 = tpu.memref_squeeze %dma_start3A_31 : memref<1x128xi32, #tpu.memory_space<vmem>> -> memref<128xi32, #tpu.memory_space<vmem>>
        %dma_start3A_33 = arith.constant 0 : i32
        %dma_start3A_34 = tpu.memref_slice %arg7[%dma_start3A_33] : memref<10240xf32, #tpu.memory_space<vmem_shared>> -> memref<10240xf32, #tpu.memory_space<vmem_shared>>
        tpu.enqueue_indirect_dma source(%arg5 : memref<128xf32, #tpu.memory_space<vmem>>) target(%dma_start3A_34 : memref<10240xf32, #tpu.memory_space<vmem_shared>>) offsets(%dma_start3A_32 : memref<128xi32, #tpu.memory_space<vmem>>) semaphore(%run_scoped3A : memref<!tpu.dma_semaphore, #tpu.memory_space<semaphore_mem>>) {add = true}
        %dma_wait3A = arith.constant 0 : i32
        %dma_wait3A_35 = tpu.memref_slice %arg4[%scan3A_28, %dma_wait3A] : memref<79x128xi32, #tpu.memory_space<vmem>> -> memref<1x128xi32, #tpu.memory_space<vmem>>
        %dma_wait3A_36 = tpu.memref_squeeze %dma_wait3A_35 : memref<1x128xi32, #tpu.memory_space<vmem>> -> memref<128xi32, #tpu.memory_space<vmem>>
        %dma_wait3A_37 = arith.constant 0 : i32
        %dma_wait3A_38 = tpu.memref_slice %arg7[%dma_wait3A_37] : memref<10240xf32, #tpu.memory_space<vmem_shared>> -> memref<10240xf32, #tpu.memory_space<vmem_shared>>
        tpu.wait_indirect_dma semaphore(%run_scoped3A : memref<!tpu.dma_semaphore, #tpu.memory_space<semaphore_mem>>) src(%arg5 : memref<128xf32, #tpu.memory_space<vmem>>) dst(%dma_wait3A_38 : memref<10240xf32, #tpu.memory_space<vmem_shared>>)
        tpu.yield
      }) : () -> ()
      %scan3A_30 = arith.constant 0 : i32
      scf.yield %scan3A_30 : i32
    }
    %scan3A_22 = arith.constant 79 : i32
    %barrier3A_23 = arith.constant 0 : index
    tpu.barrier barrier_id(%barrier3A_23)
    %mul3A_24 = arith.constant 640 : i32
    %mul3A_25 = arith.muli %arg1, %mul3A_24 : i32
    %mul3A_26 = arith.constant 640 : i32
    %mul3A_27 = arith.muli %arg1, %mul3A_26 : i32
    "tpu.region"() ({
      %run_scoped3A = tpu.sem_alloc : memref<!tpu.dma_semaphore, #tpu.memory_space<semaphore_mem>>
      %dma_start3A = arith.constant 0 : i32
      %dma_start3A_28 = tpu.memref_slice %arg3[%arg0, %dma_start3A] : memref<2x10240xf32, #tpu.memory_space<hbm>> -> memref<1x10240xf32, #tpu.memory_space<hbm>>
      %dma_start3A_29 = tpu.memref_squeeze %dma_start3A_28 : memref<1x10240xf32, #tpu.memory_space<hbm>> -> memref<10240xf32, #tpu.memory_space<hbm>>
      %dma_start3A_30 = tpu.memref_slice %dma_start3A_29[%mul3A_27] : memref<10240xf32, #tpu.memory_space<hbm>> -> memref<640xf32, #tpu.memory_space<hbm>>
      %dma_start3A_31 = tpu.memref_slice %arg7[%mul3A_25] : memref<10240xf32, #tpu.memory_space<vmem_shared>> -> memref<640xf32, #tpu.memory_space<vmem_shared>>
      tpu.enqueue_dma source(%dma_start3A_31 : memref<640xf32, #tpu.memory_space<vmem_shared>>) target(%dma_start3A_30 : memref<640xf32, #tpu.memory_space<hbm>>) target_semaphore(%run_scoped3A : memref<!tpu.dma_semaphore, #tpu.memory_space<semaphore_mem>>)
      %dma_wait3A = arith.constant 0 : i32
      %dma_wait3A_32 = tpu.memref_slice %arg3[%arg0, %dma_wait3A] : memref<2x10240xf32, #tpu.memory_space<hbm>> -> memref<1x10240xf32, #tpu.memory_space<hbm>>
      %dma_wait3A_33 = tpu.memref_squeeze %dma_wait3A_32 : memref<1x10240xf32, #tpu.memory_space<hbm>> -> memref<10240xf32, #tpu.memory_space<hbm>>
      %dma_wait3A_34 = tpu.memref_slice %dma_wait3A_33[%mul3A_27] : memref<10240xf32, #tpu.memory_space<hbm>> -> memref<640xf32, #tpu.memory_space<hbm>>
      %dma_wait3A_35 = tpu.memref_slice %arg7[%mul3A_25] : memref<10240xf32, #tpu.memory_space<vmem_shared>> -> memref<640xf32, #tpu.memory_space<vmem_shared>>
      tpu.wait_dma2 semaphore(%run_scoped3A : memref<!tpu.dma_semaphore, #tpu.memory_space<semaphore_mem>>) src(%dma_wait3A_35 : memref<640xf32, #tpu.memory_space<vmem_shared>>) dst(%dma_wait3A_34 : memref<640xf32, #tpu.memory_space<hbm>>)
      tpu.yield
    }) : () -> ()
    return
  }
}

#map = affine_map<(d0, d1) -> (0, 0)>
#map1 = affine_map<(d0, d1) -> (0, 0, 0)>
module attributes {stable_mosaic.version = 14 : i64} {
  func.func @prop_kernel(%arg0: i32, %arg1: i32, %arg2: memref<10000x128xf32, #tpu.memory_space<hbm>>, %arg3: memref<32x79x128xi32, #tpu.memory_space<hbm>>, %arg4: memref<32x79x128xi32, #tpu.memory_space<hbm>>, %arg5: memref<2x10240x128xf32, #tpu.memory_space<hbm>>, %arg6: memref<79x128xi32, #tpu.memory_space<vmem>>, %arg7: memref<79x128xi32, #tpu.memory_space<vmem>>, %arg8: memref<128x128xf32, #tpu.memory_space<vmem>>, %arg9: memref<64x128xf32, #tpu.memory_space<vmem>>, %arg10: memref<10240x128xf32, #tpu.memory_space<vmem_shared>>, %arg11: memref<!tpu.dma_semaphore, #tpu.memory_space<semaphore_mem>>) attributes {dimension_semantics = [#tpu.dimension_semantics<core_parallel>, #tpu.dimension_semantics<subcore_parallel>], iteration_bounds = array<i64: 2, 16>, scalar_prefetch = 0 : i64, scratch_operands = 6 : i64, tpu.core_type = #tpu.core_type<sc_vector_subcore>, window_params = [{transform_indices = #map}, {transform_indices = #map1}, {transform_indices = #map1}, {transform_indices = #map1}]} {
    %mul3A = arith.constant 2 : i32
    %mul3A_0 = arith.muli %arg1, %mul3A : i32
    %add3A = arith.addi %mul3A_0, %arg0 : i32
    %scan3A = arith.constant 0 : i32
    %scan3A_1 = arith.constant 0 : i32
    %scan3A_2 = arith.constant 512 : i32
    %scan3A_3 = arith.addi %scan3A_1, %scan3A_2 : i32
    %scan3A_4 = arith.constant 1 : i32
    %scan3A_5 = scf.for %scan3A_26 = %scan3A_1 to %scan3A_3 step %scan3A_4 iter_args(%scan3A_27 = %scan3A) -> (i32)  : i32 {
      %jit3A = arith.constant 8 : i32
      %div3A = arith.divsi %scan3A_26, %jit3A : i32
      %sign3A = arith.constant 0 : i32
      %sign3A_28 = arith.cmpi sgt, %scan3A_26, %sign3A : i32
      %sign3A_29 = arith.extui %sign3A_28 : i1 to i32
      %sign3A_30 = arith.constant 0 : i32
      %sign3A_31 = arith.cmpi slt, %scan3A_26, %sign3A_30 : i32
      %sign3A_32 = arith.extui %sign3A_31 : i1 to i32
      %sign3A_33 = arith.subi %sign3A_29, %sign3A_32 : i32
      %sign3A_34 = arith.constant 0 : i32
      %sign3A_35 = arith.cmpi sgt, %jit3A, %sign3A_34 : i32
      %sign3A_36 = arith.extui %sign3A_35 : i1 to i32
      %sign3A_37 = arith.constant 0 : i32
      %sign3A_38 = arith.cmpi slt, %jit3A, %sign3A_37 : i32
      %sign3A_39 = arith.extui %sign3A_38 : i1 to i32
      %sign3A_40 = arith.subi %sign3A_36, %sign3A_39 : i32
      %ne3A = arith.cmpi ne, %sign3A_33, %sign3A_40 : i32
      %rem3A = arith.remsi %scan3A_26, %jit3A : i32
      %ne3A_41 = arith.constant 0 : i32
      %ne3A_42 = arith.cmpi ne, %rem3A, %ne3A_41 : i32
      %and3A = arith.andi %ne3A, %ne3A_42 : i1
      %sub3A = arith.constant 1 : i32
      %sub3A_43 = arith.subi %div3A, %sub3A : i32
      %select_n3A = arith.select %and3A, %sub3A_43, %div3A : i32
      %jit3A_44 = arith.constant 8 : i32
      %eq3A = arith.constant 0 : i32
      %eq3A_45 = arith.cmpi eq, %jit3A_44, %eq3A : i32
      %jit3A_46 = arith.constant 1 : i32
      %select_n3A_47 = arith.select %eq3A_45, %jit3A_46, %jit3A_44 : i32
      %rem3A_48 = arith.remsi %scan3A_26, %select_n3A_47 : i32
      %ne3A_49 = arith.constant 0 : i32
      %ne3A_50 = arith.cmpi ne, %rem3A_48, %ne3A_49 : i32
      %lt3A = arith.constant 0 : i32
      %lt3A_51 = arith.cmpi slt, %rem3A_48, %lt3A : i32
      %lt3A_52 = arith.constant 0 : i32
      %lt3A_53 = arith.cmpi slt, %select_n3A_47, %lt3A_52 : i32
      %ne3A_54 = arith.xori %lt3A_51, %lt3A_53 : i1
      %and3A_55 = arith.andi %ne3A_54, %ne3A_50 : i1
      %add3A_56 = arith.addi %rem3A_48, %select_n3A_47 : i32
      %select_n3A_57 = arith.select %and3A_55, %add3A_56, %rem3A_48 : i32
      %broadcast_in_dim3A = arith.constant 0.000000e+00 : f32
      %broadcast_in_dim3A_58 = vector.broadcast %broadcast_in_dim3A : f32 to vector<16xf32>
      %mul3A_59 = arith.constant 16 : i32
      %mul3A_60 = arith.muli %select_n3A_57, %mul3A_59 : i32
      %swap3A = arith.index_cast %select_n3A : i32 to index
      %swap3A_61 = arith.index_cast %mul3A_60 : i32 to index
      %swap3A_62 = tpu.vector_load %arg9[%swap3A, %swap3A_61] {strides = array<i32>} : memref<64x128xf32, #tpu.memory_space<vmem>>, vector<1x16xf32>,
      %swap3A_63 = vector.shape_cast %swap3A_62 : vector<1x16xf32> to vector<16xf32>
      %swap3A_64 = vector.shape_cast %broadcast_in_dim3A_58 : vector<16xf32> to vector<1x16xf32>
      tpu.vector_store %arg9[%swap3A, %swap3A_61], %swap3A_64 {strides = array<i32>} : memref<64x128xf32, #tpu.memory_space<vmem>>, vector<1x16xf32>,
      %scan3A_65 = arith.constant 0 : i32
      scf.yield %scan3A_65 : i32
    }
    %scan3A_6 = arith.constant 512 : i32
    %scan3A_7 = arith.constant 0 : i32
    %scan3A_8 = arith.constant 0 : i32
    %scan3A_9 = arith.constant 10 : i32
    %scan3A_10 = arith.addi %scan3A_8, %scan3A_9 : i32
    %scan3A_11 = arith.constant 1 : i32
    %scan3A_12 = scf.for %scan3A_26 = %scan3A_8 to %scan3A_10 step %scan3A_11 iter_args(%scan3A_27 = %scan3A_7) -> (i32)  : i32 {
      %mul3A_28 = arith.constant 640 : i32
      %mul3A_29 = arith.muli %arg1, %mul3A_28 : i32
      %mul3A_30 = arith.constant 64 : i32
      %mul3A_31 = arith.muli %scan3A_26, %mul3A_30 : i32
      %add3A_32 = arith.addi %mul3A_29, %mul3A_31 : i32
      "tpu.region"() ({
        %run_scoped3A = tpu.sem_alloc : memref<!tpu.dma_semaphore, #tpu.memory_space<semaphore_mem>>
        %dma_start3A = arith.constant 0 : i32
        %dma_start3A_34 = tpu.memref_slice %arg10[%add3A_32, %dma_start3A] : memref<10240x128xf32, #tpu.memory_space<vmem_shared>> -> memref<64x128xf32, #tpu.memory_space<vmem_shared>>
        %dma_start3A_35 = arith.constant 0 : i32
        %dma_start3A_36 = tpu.memref_slice %arg10[%add3A_32, %dma_start3A_35] : memref<10240x128xf32, #tpu.memory_space<vmem_shared>> -> memref<64x128xf32, #tpu.memory_space<vmem_shared>>
        tpu.enqueue_dma source(%arg9 : memref<64x128xf32, #tpu.memory_space<vmem>>) target(%dma_start3A_36 : memref<64x128xf32, #tpu.memory_space<vmem_shared>>) target_semaphore(%run_scoped3A : memref<!tpu.dma_semaphore, #tpu.memory_space<semaphore_mem>>)
        %dma_wait3A = arith.constant 0 : i32
        %dma_wait3A_37 = tpu.memref_slice %arg10[%add3A_32, %dma_wait3A] : memref<10240x128xf32, #tpu.memory_space<vmem_shared>> -> memref<64x128xf32, #tpu.memory_space<vmem_shared>>
        %dma_wait3A_38 = arith.constant 0 : i32
        %dma_wait3A_39 = tpu.memref_slice %arg10[%add3A_32, %dma_wait3A_38] : memref<10240x128xf32, #tpu.memory_space<vmem_shared>> -> memref<64x128xf32, #tpu.memory_space<vmem_shared>>
        tpu.wait_dma2 semaphore(%run_scoped3A : memref<!tpu.dma_semaphore, #tpu.memory_space<semaphore_mem>>) src(%arg9 : memref<64x128xf32, #tpu.memory_space<vmem>>) dst(%dma_wait3A_39 : memref<64x128xf32, #tpu.memory_space<vmem_shared>>)
        tpu.yield
      }) : () -> ()
      %scan3A_33 = arith.constant 0 : i32
      scf.yield %scan3A_33 : i32
    }
    %scan3A_13 = arith.constant 10 : i32
    %barrier3A = arith.constant 0 : index
    tpu.barrier barrier_id(%barrier3A)
    "tpu.region"() ({
      %run_scoped3A = tpu.sem_alloc : memref<!tpu.dma_semaphore, #tpu.memory_space<semaphore_mem>>
      %dma_start3A = arith.constant 0 : i32
      %dma_start3A_26 = arith.constant 0 : i32
      %dma_start3A_27 = tpu.memref_slice %arg3[%add3A, %dma_start3A, %dma_start3A_26] : memref<32x79x128xi32, #tpu.memory_space<hbm>> -> memref<1x79x128xi32, #tpu.memory_space<hbm>>
      %dma_start3A_28 = tpu.memref_squeeze %dma_start3A_27 : memref<1x79x128xi32, #tpu.memory_space<hbm>> -> memref<79x128xi32, #tpu.memory_space<hbm>>
      %dma_start3A_29 = arith.constant 0 : i32
      %dma_start3A_30 = arith.constant 0 : i32
      %dma_start3A_31 = tpu.memref_slice %arg3[%add3A, %dma_start3A_29, %dma_start3A_30] : memref<32x79x128xi32, #tpu.memory_space<hbm>> -> memref<1x79x128xi32, #tpu.memory_space<hbm>>
      %dma_start3A_32 = tpu.memref_squeeze %dma_start3A_31 : memref<1x79x128xi32, #tpu.memory_space<hbm>> -> memref<79x128xi32, #tpu.memory_space<hbm>>
      tpu.enqueue_dma source(%dma_start3A_32 : memref<79x128xi32, #tpu.memory_space<hbm>>) target(%arg6 : memref<79x128xi32, #tpu.memory_space<vmem>>) target_semaphore(%run_scoped3A : memref<!tpu.dma_semaphore, #tpu.memory_space<semaphore_mem>>)
      %dma_wait3A = arith.constant 0 : i32
      %dma_wait3A_33 = arith.constant 0 : i32
      %dma_wait3A_34 = tpu.memref_slice %arg3[%add3A, %dma_wait3A, %dma_wait3A_33] : memref<32x79x128xi32, #tpu.memory_space<hbm>> -> memref<1x79x128xi32, #tpu.memory_space<hbm>>
      %dma_wait3A_35 = tpu.memref_squeeze %dma_wait3A_34 : memref<1x79x128xi32, #tpu.memory_space<hbm>> -> memref<79x128xi32, #tpu.memory_space<hbm>>
      %dma_wait3A_36 = arith.constant 0 : i32
      %dma_wait3A_37 = arith.constant 0 : i32
      %dma_wait3A_38 = tpu.memref_slice %arg3[%add3A, %dma_wait3A_36, %dma_wait3A_37] : memref<32x79x128xi32, #tpu.memory_space<hbm>> -> memref<1x79x128xi32, #tpu.memory_space<hbm>>
      %dma_wait3A_39 = tpu.memref_squeeze %dma_wait3A_38 : memref<1x79x128xi32, #tpu.memory_space<hbm>> -> memref<79x128xi32, #tpu.memory_space<hbm>>
      tpu.wait_dma2 semaphore(%run_scoped3A : memref<!tpu.dma_semaphore, #tpu.memory_space<semaphore_mem>>) src(%dma_wait3A_39 : memref<79x128xi32, #tpu.memory_space<hbm>>) dst(%arg6 : memref<79x128xi32, #tpu.memory_space<vmem>>)
      tpu.yield
    }) : () -> ()
    "tpu.region"() ({
      %run_scoped3A = tpu.sem_alloc : memref<!tpu.dma_semaphore, #tpu.memory_space<semaphore_mem>>
      %dma_start3A = arith.constant 0 : i32
      %dma_start3A_26 = arith.constant 0 : i32
      %dma_start3A_27 = tpu.memref_slice %arg4[%add3A, %dma_start3A, %dma_start3A_26] : memref<32x79x128xi32, #tpu.memory_space<hbm>> -> memref<1x79x128xi32, #tpu.memory_space<hbm>>
      %dma_start3A_28 = tpu.memref_squeeze %dma_start3A_27 : memref<1x79x128xi32, #tpu.memory_space<hbm>> -> memref<79x128xi32, #tpu.memory_space<hbm>>
      %dma_start3A_29 = arith.constant 0 : i32
      %dma_start3A_30 = arith.constant 0 : i32
      %dma_start3A_31 = tpu.memref_slice %arg4[%add3A, %dma_start3A_29, %dma_start3A_30] : memref<32x79x128xi32, #tpu.memory_space<hbm>> -> memref<1x79x128xi32, #tpu.memory_space<hbm>>
      %dma_start3A_32 = tpu.memref_squeeze %dma_start3A_31 : memref<1x79x128xi32, #tpu.memory_space<hbm>> -> memref<79x128xi32, #tpu.memory_space<hbm>>
      tpu.enqueue_dma source(%dma_start3A_32 : memref<79x128xi32, #tpu.memory_space<hbm>>) target(%arg7 : memref<79x128xi32, #tpu.memory_space<vmem>>) target_semaphore(%run_scoped3A : memref<!tpu.dma_semaphore, #tpu.memory_space<semaphore_mem>>)
      %dma_wait3A = arith.constant 0 : i32
      %dma_wait3A_33 = arith.constant 0 : i32
      %dma_wait3A_34 = tpu.memref_slice %arg4[%add3A, %dma_wait3A, %dma_wait3A_33] : memref<32x79x128xi32, #tpu.memory_space<hbm>> -> memref<1x79x128xi32, #tpu.memory_space<hbm>>
      %dma_wait3A_35 = tpu.memref_squeeze %dma_wait3A_34 : memref<1x79x128xi32, #tpu.memory_space<hbm>> -> memref<79x128xi32, #tpu.memory_space<hbm>>
      %dma_wait3A_36 = arith.constant 0 : i32
      %dma_wait3A_37 = arith.constant 0 : i32
      %dma_wait3A_38 = tpu.memref_slice %arg4[%add3A, %dma_wait3A_36, %dma_wait3A_37] : memref<32x79x128xi32, #tpu.memory_space<hbm>> -> memref<1x79x128xi32, #tpu.memory_space<hbm>>
      %dma_wait3A_39 = tpu.memref_squeeze %dma_wait3A_38 : memref<1x79x128xi32, #tpu.memory_space<hbm>> -> memref<79x128xi32, #tpu.memory_space<hbm>>
      tpu.wait_dma2 semaphore(%run_scoped3A : memref<!tpu.dma_semaphore, #tpu.memory_space<semaphore_mem>>) src(%dma_wait3A_39 : memref<79x128xi32, #tpu.memory_space<hbm>>) dst(%arg7 : memref<79x128xi32, #tpu.memory_space<vmem>>)
      tpu.yield
    }) : () -> ()
    %scan3A_14 = arith.constant 0 : i32
    %scan3A_15 = arith.constant 0 : i32
    %scan3A_16 = arith.constant 79 : i32
    %scan3A_17 = arith.addi %scan3A_15, %scan3A_16 : i32
    %scan3A_18 = arith.constant 1 : i32
    %scan3A_19 = scf.for %scan3A_26 = %scan3A_15 to %scan3A_17 step %scan3A_18 iter_args(%scan3A_27 = %scan3A_14) -> (i32)  : i32 {
      %dma_start3A = arith.constant 0 : i32
      %dma_start3A_28 = tpu.memref_slice %arg6[%scan3A_26, %dma_start3A] : memref<79x128xi32, #tpu.memory_space<vmem>> -> memref<1x128xi32, #tpu.memory_space<vmem>>
      %dma_start3A_29 = tpu.memref_squeeze %dma_start3A_28 : memref<1x128xi32, #tpu.memory_space<vmem>> -> memref<128xi32, #tpu.memory_space<vmem>>
      %dma_start3A_30 = arith.constant 0 : i32
      %dma_start3A_31 = arith.constant 0 : i32
      %dma_start3A_32 = tpu.memref_slice %arg2[%dma_start3A_30, %dma_start3A_31] : memref<10000x128xf32, #tpu.memory_space<hbm>> -> memref<10000x128xf32, #tpu.memory_space<hbm>>
      tpu.enqueue_indirect_dma source(%dma_start3A_32 : memref<10000x128xf32, #tpu.memory_space<hbm>>) target(%arg8 : memref<128x128xf32, #tpu.memory_space<vmem>>) offsets(%dma_start3A_29 : memref<128xi32, #tpu.memory_space<vmem>>) semaphore(%arg11 : memref<!tpu.dma_semaphore, #tpu.memory_space<semaphore_mem>>)
      %dma_wait3A = arith.constant 0 : i32
      %dma_wait3A_33 = tpu.memref_slice %arg6[%scan3A_26, %dma_wait3A] : memref<79x128xi32, #tpu.memory_space<vmem>> -> memref<1x128xi32, #tpu.memory_space<vmem>>
      %dma_wait3A_34 = tpu.memref_squeeze %dma_wait3A_33 : memref<1x128xi32, #tpu.memory_space<vmem>> -> memref<128xi32, #tpu.memory_space<vmem>>
      %dma_wait3A_35 = arith.constant 0 : i32
      %dma_wait3A_36 = arith.constant 0 : i32
      %dma_wait3A_37 = tpu.memref_slice %arg2[%dma_wait3A_35, %dma_wait3A_36] : memref<10000x128xf32, #tpu.memory_space<hbm>> -> memref<10000x128xf32, #tpu.memory_space<hbm>>
      tpu.wait_indirect_dma semaphore(%arg11 : memref<!tpu.dma_semaphore, #tpu.memory_space<semaphore_mem>>) src(%dma_wait3A_37 : memref<10000x128xf32, #tpu.memory_space<hbm>>) dst(%arg8 : memref<128x128xf32, #tpu.memory_space<vmem>>)
      "tpu.region"() ({
        %run_scoped3A = tpu.sem_alloc : memref<!tpu.dma_semaphore, #tpu.memory_space<semaphore_mem>>
        %dma_start3A_39 = arith.constant 0 : i32
        %dma_start3A_40 = tpu.memref_slice %arg7[%scan3A_26, %dma_start3A_39] : memref<79x128xi32, #tpu.memory_space<vmem>> -> memref<1x128xi32, #tpu.memory_space<vmem>>
        %dma_start3A_41 = tpu.memref_squeeze %dma_start3A_40 : memref<1x128xi32, #tpu.memory_space<vmem>> -> memref<128xi32, #tpu.memory_space<vmem>>
        %dma_start3A_42 = arith.constant 0 : i32
        %dma_start3A_43 = arith.constant 0 : i32
        %dma_start3A_44 = tpu.memref_slice %arg10[%dma_start3A_42, %dma_start3A_43] : memref<10240x128xf32, #tpu.memory_space<vmem_shared>> -> memref<10240x128xf32, #tpu.memory_space<vmem_shared>>
        tpu.enqueue_indirect_dma source(%arg8 : memref<128x128xf32, #tpu.memory_space<vmem>>) target(%dma_start3A_44 : memref<10240x128xf32, #tpu.memory_space<vmem_shared>>) offsets(%dma_start3A_41 : memref<128xi32, #tpu.memory_space<vmem>>) semaphore(%run_scoped3A : memref<!tpu.dma_semaphore, #tpu.memory_space<semaphore_mem>>) {add = true}
        %dma_wait3A_45 = arith.constant 0 : i32
        %dma_wait3A_46 = tpu.memref_slice %arg7[%scan3A_26, %dma_wait3A_45] : memref<79x128xi32, #tpu.memory_space<vmem>> -> memref<1x128xi32, #tpu.memory_space<vmem>>
        %dma_wait3A_47 = tpu.memref_squeeze %dma_wait3A_46 : memref<1x128xi32, #tpu.memory_space<vmem>> -> memref<128xi32, #tpu.memory_space<vmem>>
        %dma_wait3A_48 = arith.constant 0 : i32
        %dma_wait3A_49 = arith.constant 0 : i32
        %dma_wait3A_50 = tpu.memref_slice %arg10[%dma_wait3A_48, %dma_wait3A_49] : memref<10240x128xf32, #tpu.memory_space<vmem_shared>> -> memref<10240x128xf32, #tpu.memory_space<vmem_shared>>
        tpu.wait_indirect_dma semaphore(%run_scoped3A : memref<!tpu.dma_semaphore, #tpu.memory_space<semaphore_mem>>) src(%arg8 : memref<128x128xf32, #tpu.memory_space<vmem>>) dst(%dma_wait3A_50 : memref<10240x128xf32, #tpu.memory_space<vmem_shared>>)
        tpu.yield
      }) : () -> ()
      %scan3A_38 = arith.constant 0 : i32
      scf.yield %scan3A_38 : i32
    }
    %scan3A_20 = arith.constant 79 : i32
    %barrier3A_21 = arith.constant 0 : index
    tpu.barrier barrier_id(%barrier3A_21)
    %mul3A_22 = arith.constant 640 : i32
    %mul3A_23 = arith.muli %arg1, %mul3A_22 : i32
    %mul3A_24 = arith.constant 640 : i32
    %mul3A_25 = arith.muli %arg1, %mul3A_24 : i32
    "tpu.region"() ({
      %run_scoped3A = tpu.sem_alloc : memref<!tpu.dma_semaphore, #tpu.memory_space<semaphore_mem>>
      %dma_start3A = arith.constant 0 : i32
      %dma_start3A_26 = arith.constant 0 : i32
      %dma_start3A_27 = tpu.memref_slice %arg5[%arg0, %dma_start3A, %dma_start3A_26] : memref<2x10240x128xf32, #tpu.memory_space<hbm>> -> memref<1x10240x128xf32, #tpu.memory_space<hbm>>
      %dma_start3A_28 = tpu.memref_squeeze %dma_start3A_27 : memref<1x10240x128xf32, #tpu.memory_space<hbm>> -> memref<10240x128xf32, #tpu.memory_space<hbm>>
      %dma_start3A_29 = arith.constant 0 : i32
      %dma_start3A_30 = tpu.memref_slice %dma_start3A_28[%mul3A_25, %dma_start3A_29] : memref<10240x128xf32, #tpu.memory_space<hbm>> -> memref<640x128xf32, #tpu.memory_space<hbm>>
      %dma_start3A_31 = arith.constant 0 : i32
      %dma_start3A_32 = tpu.memref_slice %arg10[%mul3A_23, %dma_start3A_31] : memref<10240x128xf32, #tpu.memory_space<vmem_shared>> -> memref<640x128xf32, #tpu.memory_space<vmem_shared>>
      tpu.enqueue_dma source(%dma_start3A_32 : memref<640x128xf32, #tpu.memory_space<vmem_shared>>) target(%dma_start3A_30 : memref<640x128xf32, #tpu.memory_space<hbm>>) target_semaphore(%run_scoped3A : memref<!tpu.dma_semaphore, #tpu.memory_space<semaphore_mem>>)
      %dma_wait3A = arith.constant 0 : i32
      %dma_wait3A_33 = arith.constant 0 : i32
      %dma_wait3A_34 = tpu.memref_slice %arg5[%arg0, %dma_wait3A, %dma_wait3A_33] : memref<2x10240x128xf32, #tpu.memory_space<hbm>> -> memref<1x10240x128xf32, #tpu.memory_space<hbm>>
      %dma_wait3A_35 = tpu.memref_squeeze %dma_wait3A_34 : memref<1x10240x128xf32, #tpu.memory_space<hbm>> -> memref<10240x128xf32, #tpu.memory_space<hbm>>
      %dma_wait3A_36 = arith.constant 0 : i32
      %dma_wait3A_37 = tpu.memref_slice %dma_wait3A_35[%mul3A_25, %dma_wait3A_36] : memref<10240x128xf32, #tpu.memory_space<hbm>> -> memref<640x128xf32, #tpu.memory_space<hbm>>
      %dma_wait3A_38 = arith.constant 0 : i32
      %dma_wait3A_39 = tpu.memref_slice %arg10[%mul3A_23, %dma_wait3A_38] : memref<10240x128xf32, #tpu.memory_space<vmem_shared>> -> memref<640x128xf32, #tpu.memory_space<vmem_shared>>
      tpu.wait_dma2 semaphore(%run_scoped3A : memref<!tpu.dma_semaphore, #tpu.memory_space<semaphore_mem>>) src(%dma_wait3A_39 : memref<640x128xf32, #tpu.memory_space<vmem_shared>>) dst(%dma_wait3A_37 : memref<640x128xf32, #tpu.memory_space<hbm>>)
      tpu.yield
    }) : () -> ()
    return
  }
}

#map = affine_map<(d0, d1) -> (0, 0)>
#map1 = affine_map<(d0, d1) -> (0, 0, 0)>
module attributes {stable_mosaic.version = 14 : i64} {
  func.func @prop_kernel(%arg0: i32, %arg1: i32, %arg2: memref<10000x128xf32, #tpu.memory_space<hbm>>, %arg3: memref<32x79x128xi32, #tpu.memory_space<hbm>>, %arg4: memref<32x79x128xi32, #tpu.memory_space<hbm>>, %arg5: memref<2x10240x128xf32, #tpu.memory_space<hbm>>, %arg6: memref<79x128xi32, #tpu.memory_space<vmem>>, %arg7: memref<79x128xi32, #tpu.memory_space<vmem>>, %arg8: memref<128x128xf32, #tpu.memory_space<vmem>>, %arg9: memref<64x128xf32, #tpu.memory_space<vmem>>, %arg10: memref<10240x128xf32, #tpu.memory_space<vmem_shared>>, %arg11: memref<!tpu.dma_semaphore, #tpu.memory_space<semaphore_mem>>) attributes {dimension_semantics = [#tpu.dimension_semantics<core_parallel>, #tpu.dimension_semantics<subcore_parallel>], iteration_bounds = array<i64: 2, 16>, scalar_prefetch = 0 : i64, scratch_operands = 6 : i64, tpu.core_type = #tpu.core_type<sc_vector_subcore>, window_params = [{transform_indices = #map}, {transform_indices = #map1}, {transform_indices = #map1}, {transform_indices = #map1}]} {
    %mul3A = arith.constant 2 : i32
    %mul3A_0 = arith.muli %arg1, %mul3A : i32
    %add3A = arith.addi %mul3A_0, %arg0 : i32
    %scan3A = arith.constant 0 : i32
    %scan3A_1 = arith.constant 0 : i32
    %scan3A_2 = arith.constant 512 : i32
    %scan3A_3 = arith.addi %scan3A_1, %scan3A_2 : i32
    %scan3A_4 = arith.constant 1 : i32
    %scan3A_5 = scf.for %scan3A_26 = %scan3A_1 to %scan3A_3 step %scan3A_4 iter_args(%scan3A_27 = %scan3A) -> (i32)  : i32 {
      %jit3A = arith.constant 8 : i32
      %div3A = arith.divsi %scan3A_26, %jit3A : i32
      %sign3A = arith.constant 0 : i32
      %sign3A_28 = arith.cmpi sgt, %scan3A_26, %sign3A : i32
      %sign3A_29 = arith.extui %sign3A_28 : i1 to i32
      %sign3A_30 = arith.constant 0 : i32
      %sign3A_31 = arith.cmpi slt, %scan3A_26, %sign3A_30 : i32
      %sign3A_32 = arith.extui %sign3A_31 : i1 to i32
      %sign3A_33 = arith.subi %sign3A_29, %sign3A_32 : i32
      %sign3A_34 = arith.constant 0 : i32
      %sign3A_35 = arith.cmpi sgt, %jit3A, %sign3A_34 : i32
      %sign3A_36 = arith.extui %sign3A_35 : i1 to i32
      %sign3A_37 = arith.constant 0 : i32
      %sign3A_38 = arith.cmpi slt, %jit3A, %sign3A_37 : i32
      %sign3A_39 = arith.extui %sign3A_38 : i1 to i32
      %sign3A_40 = arith.subi %sign3A_36, %sign3A_39 : i32
      %ne3A = arith.cmpi ne, %sign3A_33, %sign3A_40 : i32
      %rem3A = arith.remsi %scan3A_26, %jit3A : i32
      %ne3A_41 = arith.constant 0 : i32
      %ne3A_42 = arith.cmpi ne, %rem3A, %ne3A_41 : i32
      %and3A = arith.andi %ne3A, %ne3A_42 : i1
      %sub3A = arith.constant 1 : i32
      %sub3A_43 = arith.subi %div3A, %sub3A : i32
      %select_n3A = arith.select %and3A, %sub3A_43, %div3A : i32
      %jit3A_44 = arith.constant 8 : i32
      %eq3A = arith.constant 0 : i32
      %eq3A_45 = arith.cmpi eq, %jit3A_44, %eq3A : i32
      %jit3A_46 = arith.constant 1 : i32
      %select_n3A_47 = arith.select %eq3A_45, %jit3A_46, %jit3A_44 : i32
      %rem3A_48 = arith.remsi %scan3A_26, %select_n3A_47 : i32
      %ne3A_49 = arith.constant 0 : i32
      %ne3A_50 = arith.cmpi ne, %rem3A_48, %ne3A_49 : i32
      %lt3A = arith.constant 0 : i32
      %lt3A_51 = arith.cmpi slt, %rem3A_48, %lt3A : i32
      %lt3A_52 = arith.constant 0 : i32
      %lt3A_53 = arith.cmpi slt, %select_n3A_47, %lt3A_52 : i32
      %ne3A_54 = arith.xori %lt3A_51, %lt3A_53 : i1
      %and3A_55 = arith.andi %ne3A_54, %ne3A_50 : i1
      %add3A_56 = arith.addi %rem3A_48, %select_n3A_47 : i32
      %select_n3A_57 = arith.select %and3A_55, %add3A_56, %rem3A_48 : i32
      %broadcast_in_dim3A = arith.constant 0.000000e+00 : f32
      %broadcast_in_dim3A_58 = vector.broadcast %broadcast_in_dim3A : f32 to vector<16xf32>
      %mul3A_59 = arith.constant 16 : i32
      %mul3A_60 = arith.muli %select_n3A_57, %mul3A_59 : i32
      %swap3A = arith.index_cast %select_n3A : i32 to index
      %swap3A_61 = arith.index_cast %mul3A_60 : i32 to index
      %swap3A_62 = tpu.vector_load %arg9[%swap3A, %swap3A_61] {strides = array<i32>} : memref<64x128xf32, #tpu.memory_space<vmem>>, vector<1x16xf32>,
      %swap3A_63 = vector.shape_cast %swap3A_62 : vector<1x16xf32> to vector<16xf32>
      %swap3A_64 = vector.shape_cast %broadcast_in_dim3A_58 : vector<16xf32> to vector<1x16xf32>
      tpu.vector_store %arg9[%swap3A, %swap3A_61], %swap3A_64 {strides = array<i32>} : memref<64x128xf32, #tpu.memory_space<vmem>>, vector<1x16xf32>,
      %scan3A_65 = arith.constant 0 : i32
      scf.yield %scan3A_65 : i32
    }
    %scan3A_6 = arith.constant 512 : i32
    %scan3A_7 = arith.constant 0 : i32
    %scan3A_8 = arith.constant 0 : i32
    %scan3A_9 = arith.constant 10 : i32
    %scan3A_10 = arith.addi %scan3A_8, %scan3A_9 : i32
    %scan3A_11 = arith.constant 1 : i32
    %scan3A_12 = scf.for %scan3A_26 = %scan3A_8 to %scan3A_10 step %scan3A_11 iter_args(%scan3A_27 = %scan3A_7) -> (i32)  : i32 {
      %mul3A_28 = arith.constant 640 : i32
      %mul3A_29 = arith.muli %arg1, %mul3A_28 : i32
      %mul3A_30 = arith.constant 64 : i32
      %mul3A_31 = arith.muli %scan3A_26, %mul3A_30 : i32
      %add3A_32 = arith.addi %mul3A_29, %mul3A_31 : i32
      "tpu.region"() ({
        %run_scoped3A = tpu.sem_alloc : memref<!tpu.dma_semaphore, #tpu.memory_space<semaphore_mem>>
        %dma_start3A = arith.constant 0 : i32
        %dma_start3A_34 = tpu.memref_slice %arg10[%add3A_32, %dma_start3A] : memref<10240x128xf32, #tpu.memory_space<vmem_shared>> -> memref<64x128xf32, #tpu.memory_space<vmem_shared>>
        %dma_start3A_35 = arith.constant 0 : i32
        %dma_start3A_36 = tpu.memref_slice %arg10[%add3A_32, %dma_start3A_35] : memref<10240x128xf32, #tpu.memory_space<vmem_shared>> -> memref<64x128xf32, #tpu.memory_space<vmem_shared>>
        tpu.enqueue_dma source(%arg9 : memref<64x128xf32, #tpu.memory_space<vmem>>) target(%dma_start3A_36 : memref<64x128xf32, #tpu.memory_space<vmem_shared>>) target_semaphore(%run_scoped3A : memref<!tpu.dma_semaphore, #tpu.memory_space<semaphore_mem>>)
        %dma_wait3A = arith.constant 0 : i32
        %dma_wait3A_37 = tpu.memref_slice %arg10[%add3A_32, %dma_wait3A] : memref<10240x128xf32, #tpu.memory_space<vmem_shared>> -> memref<64x128xf32, #tpu.memory_space<vmem_shared>>
        %dma_wait3A_38 = arith.constant 0 : i32
        %dma_wait3A_39 = tpu.memref_slice %arg10[%add3A_32, %dma_wait3A_38] : memref<10240x128xf32, #tpu.memory_space<vmem_shared>> -> memref<64x128xf32, #tpu.memory_space<vmem_shared>>
        tpu.wait_dma2 semaphore(%run_scoped3A : memref<!tpu.dma_semaphore, #tpu.memory_space<semaphore_mem>>) src(%arg9 : memref<64x128xf32, #tpu.memory_space<vmem>>) dst(%dma_wait3A_39 : memref<64x128xf32, #tpu.memory_space<vmem_shared>>)
        tpu.yield
      }) : () -> ()
      %scan3A_33 = arith.constant 0 : i32
      scf.yield %scan3A_33 : i32
    }
    %scan3A_13 = arith.constant 10 : i32
    %barrier3A = arith.constant 0 : index
    tpu.barrier barrier_id(%barrier3A)
    "tpu.region"() ({
      %run_scoped3A = tpu.sem_alloc : memref<!tpu.dma_semaphore, #tpu.memory_space<semaphore_mem>>
      %dma_start3A = arith.constant 0 : i32
      %dma_start3A_26 = arith.constant 0 : i32
      %dma_start3A_27 = tpu.memref_slice %arg3[%add3A, %dma_start3A, %dma_start3A_26] : memref<32x79x128xi32, #tpu.memory_space<hbm>> -> memref<1x79x128xi32, #tpu.memory_space<hbm>>
      %dma_start3A_28 = tpu.memref_squeeze %dma_start3A_27 : memref<1x79x128xi32, #tpu.memory_space<hbm>> -> memref<79x128xi32, #tpu.memory_space<hbm>>
      %dma_start3A_29 = arith.constant 0 : i32
      %dma_start3A_30 = arith.constant 0 : i32
      %dma_start3A_31 = tpu.memref_slice %arg3[%add3A, %dma_start3A_29, %dma_start3A_30] : memref<32x79x128xi32, #tpu.memory_space<hbm>> -> memref<1x79x128xi32, #tpu.memory_space<hbm>>
      %dma_start3A_32 = tpu.memref_squeeze %dma_start3A_31 : memref<1x79x128xi32, #tpu.memory_space<hbm>> -> memref<79x128xi32, #tpu.memory_space<hbm>>
      tpu.enqueue_dma source(%dma_start3A_32 : memref<79x128xi32, #tpu.memory_space<hbm>>) target(%arg6 : memref<79x128xi32, #tpu.memory_space<vmem>>) target_semaphore(%run_scoped3A : memref<!tpu.dma_semaphore, #tpu.memory_space<semaphore_mem>>)
      %dma_wait3A = arith.constant 0 : i32
      %dma_wait3A_33 = arith.constant 0 : i32
      %dma_wait3A_34 = tpu.memref_slice %arg3[%add3A, %dma_wait3A, %dma_wait3A_33] : memref<32x79x128xi32, #tpu.memory_space<hbm>> -> memref<1x79x128xi32, #tpu.memory_space<hbm>>
      %dma_wait3A_35 = tpu.memref_squeeze %dma_wait3A_34 : memref<1x79x128xi32, #tpu.memory_space<hbm>> -> memref<79x128xi32, #tpu.memory_space<hbm>>
      %dma_wait3A_36 = arith.constant 0 : i32
      %dma_wait3A_37 = arith.constant 0 : i32
      %dma_wait3A_38 = tpu.memref_slice %arg3[%add3A, %dma_wait3A_36, %dma_wait3A_37] : memref<32x79x128xi32, #tpu.memory_space<hbm>> -> memref<1x79x128xi32, #tpu.memory_space<hbm>>
      %dma_wait3A_39 = tpu.memref_squeeze %dma_wait3A_38 : memref<1x79x128xi32, #tpu.memory_space<hbm>> -> memref<79x128xi32, #tpu.memory_space<hbm>>
      tpu.wait_dma2 semaphore(%run_scoped3A : memref<!tpu.dma_semaphore, #tpu.memory_space<semaphore_mem>>) src(%dma_wait3A_39 : memref<79x128xi32, #tpu.memory_space<hbm>>) dst(%arg6 : memref<79x128xi32, #tpu.memory_space<vmem>>)
      tpu.yield
    }) : () -> ()
    "tpu.region"() ({
      %run_scoped3A = tpu.sem_alloc : memref<!tpu.dma_semaphore, #tpu.memory_space<semaphore_mem>>
      %dma_start3A = arith.constant 0 : i32
      %dma_start3A_26 = arith.constant 0 : i32
      %dma_start3A_27 = tpu.memref_slice %arg4[%add3A, %dma_start3A, %dma_start3A_26] : memref<32x79x128xi32, #tpu.memory_space<hbm>> -> memref<1x79x128xi32, #tpu.memory_space<hbm>>
      %dma_start3A_28 = tpu.memref_squeeze %dma_start3A_27 : memref<1x79x128xi32, #tpu.memory_space<hbm>> -> memref<79x128xi32, #tpu.memory_space<hbm>>
      %dma_start3A_29 = arith.constant 0 : i32
      %dma_start3A_30 = arith.constant 0 : i32
      %dma_start3A_31 = tpu.memref_slice %arg4[%add3A, %dma_start3A_29, %dma_start3A_30] : memref<32x79x128xi32, #tpu.memory_space<hbm>> -> memref<1x79x128xi32, #tpu.memory_space<hbm>>
      %dma_start3A_32 = tpu.memref_squeeze %dma_start3A_31 : memref<1x79x128xi32, #tpu.memory_space<hbm>> -> memref<79x128xi32, #tpu.memory_space<hbm>>
      tpu.enqueue_dma source(%dma_start3A_32 : memref<79x128xi32, #tpu.memory_space<hbm>>) target(%arg7 : memref<79x128xi32, #tpu.memory_space<vmem>>) target_semaphore(%run_scoped3A : memref<!tpu.dma_semaphore, #tpu.memory_space<semaphore_mem>>)
      %dma_wait3A = arith.constant 0 : i32
      %dma_wait3A_33 = arith.constant 0 : i32
      %dma_wait3A_34 = tpu.memref_slice %arg4[%add3A, %dma_wait3A, %dma_wait3A_33] : memref<32x79x128xi32, #tpu.memory_space<hbm>> -> memref<1x79x128xi32, #tpu.memory_space<hbm>>
      %dma_wait3A_35 = tpu.memref_squeeze %dma_wait3A_34 : memref<1x79x128xi32, #tpu.memory_space<hbm>> -> memref<79x128xi32, #tpu.memory_space<hbm>>
      %dma_wait3A_36 = arith.constant 0 : i32
      %dma_wait3A_37 = arith.constant 0 : i32
      %dma_wait3A_38 = tpu.memref_slice %arg4[%add3A, %dma_wait3A_36, %dma_wait3A_37] : memref<32x79x128xi32, #tpu.memory_space<hbm>> -> memref<1x79x128xi32, #tpu.memory_space<hbm>>
      %dma_wait3A_39 = tpu.memref_squeeze %dma_wait3A_38 : memref<1x79x128xi32, #tpu.memory_space<hbm>> -> memref<79x128xi32, #tpu.memory_space<hbm>>
      tpu.wait_dma2 semaphore(%run_scoped3A : memref<!tpu.dma_semaphore, #tpu.memory_space<semaphore_mem>>) src(%dma_wait3A_39 : memref<79x128xi32, #tpu.memory_space<hbm>>) dst(%arg7 : memref<79x128xi32, #tpu.memory_space<vmem>>)
      tpu.yield
    }) : () -> ()
    %scan3A_14 = arith.constant 0 : i32
    %scan3A_15 = arith.constant 0 : i32
    %scan3A_16 = arith.constant 79 : i32
    %scan3A_17 = arith.addi %scan3A_15, %scan3A_16 : i32
    %scan3A_18 = arith.constant 1 : i32
    %scan3A_19 = scf.for %scan3A_26 = %scan3A_15 to %scan3A_17 step %scan3A_18 iter_args(%scan3A_27 = %scan3A_14) -> (i32)  : i32 {
      %dma_start3A = arith.constant 0 : i32
      %dma_start3A_28 = tpu.memref_slice %arg6[%scan3A_26, %dma_start3A] : memref<79x128xi32, #tpu.memory_space<vmem>> -> memref<1x128xi32, #tpu.memory_space<vmem>>
      %dma_start3A_29 = tpu.memref_squeeze %dma_start3A_28 : memref<1x128xi32, #tpu.memory_space<vmem>> -> memref<128xi32, #tpu.memory_space<vmem>>
      %dma_start3A_30 = arith.constant 0 : i32
      %dma_start3A_31 = arith.constant 0 : i32
      %dma_start3A_32 = tpu.memref_slice %arg2[%dma_start3A_30, %dma_start3A_31] : memref<10000x128xf32, #tpu.memory_space<hbm>> -> memref<10000x128xf32, #tpu.memory_space<hbm>>
      tpu.enqueue_indirect_dma source(%dma_start3A_32 : memref<10000x128xf32, #tpu.memory_space<hbm>>) target(%arg8 : memref<128x128xf32, #tpu.memory_space<vmem>>) offsets(%dma_start3A_29 : memref<128xi32, #tpu.memory_space<vmem>>) semaphore(%arg11 : memref<!tpu.dma_semaphore, #tpu.memory_space<semaphore_mem>>)
      %dma_wait3A = arith.constant 0 : i32
      %dma_wait3A_33 = tpu.memref_slice %arg6[%scan3A_26, %dma_wait3A] : memref<79x128xi32, #tpu.memory_space<vmem>> -> memref<1x128xi32, #tpu.memory_space<vmem>>
      %dma_wait3A_34 = tpu.memref_squeeze %dma_wait3A_33 : memref<1x128xi32, #tpu.memory_space<vmem>> -> memref<128xi32, #tpu.memory_space<vmem>>
      %dma_wait3A_35 = arith.constant 0 : i32
      %dma_wait3A_36 = arith.constant 0 : i32
      %dma_wait3A_37 = tpu.memref_slice %arg2[%dma_wait3A_35, %dma_wait3A_36] : memref<10000x128xf32, #tpu.memory_space<hbm>> -> memref<10000x128xf32, #tpu.memory_space<hbm>>
      tpu.wait_indirect_dma semaphore(%arg11 : memref<!tpu.dma_semaphore, #tpu.memory_space<semaphore_mem>>) src(%dma_wait3A_37 : memref<10000x128xf32, #tpu.memory_space<hbm>>) dst(%arg8 : memref<128x128xf32, #tpu.memory_space<vmem>>)
      "tpu.region"() ({
        %run_scoped3A = tpu.sem_alloc : memref<!tpu.dma_semaphore, #tpu.memory_space<semaphore_mem>>
        %dma_start3A_39 = arith.constant 0 : i32
        %dma_start3A_40 = tpu.memref_slice %arg7[%scan3A_26, %dma_start3A_39] : memref<79x128xi32, #tpu.memory_space<vmem>> -> memref<1x128xi32, #tpu.memory_space<vmem>>
        %dma_start3A_41 = tpu.memref_squeeze %dma_start3A_40 : memref<1x128xi32, #tpu.memory_space<vmem>> -> memref<128xi32, #tpu.memory_space<vmem>>
        %dma_start3A_42 = arith.constant 0 : i32
        %dma_start3A_43 = arith.constant 0 : i32
        %dma_start3A_44 = tpu.memref_slice %arg10[%dma_start3A_42, %dma_start3A_43] : memref<10240x128xf32, #tpu.memory_space<vmem_shared>> -> memref<10240x128xf32, #tpu.memory_space<vmem_shared>>
        tpu.enqueue_indirect_dma source(%arg8 : memref<128x128xf32, #tpu.memory_space<vmem>>) target(%dma_start3A_44 : memref<10240x128xf32, #tpu.memory_space<vmem_shared>>) offsets(%dma_start3A_41 : memref<128xi32, #tpu.memory_space<vmem>>) semaphore(%run_scoped3A : memref<!tpu.dma_semaphore, #tpu.memory_space<semaphore_mem>>) {add = true}
        %dma_wait3A_45 = arith.constant 0 : i32
        %dma_wait3A_46 = tpu.memref_slice %arg7[%scan3A_26, %dma_wait3A_45] : memref<79x128xi32, #tpu.memory_space<vmem>> -> memref<1x128xi32, #tpu.memory_space<vmem>>
        %dma_wait3A_47 = tpu.memref_squeeze %dma_wait3A_46 : memref<1x128xi32, #tpu.memory_space<vmem>> -> memref<128xi32, #tpu.memory_space<vmem>>
        %dma_wait3A_48 = arith.constant 0 : i32
        %dma_wait3A_49 = arith.constant 0 : i32
        %dma_wait3A_50 = tpu.memref_slice %arg10[%dma_wait3A_48, %dma_wait3A_49] : memref<10240x128xf32, #tpu.memory_space<vmem_shared>> -> memref<10240x128xf32, #tpu.memory_space<vmem_shared>>
        tpu.wait_indirect_dma semaphore(%run_scoped3A : memref<!tpu.dma_semaphore, #tpu.memory_space<semaphore_mem>>) src(%arg8 : memref<128x128xf32, #tpu.memory_space<vmem>>) dst(%dma_wait3A_50 : memref<10240x128xf32, #tpu.memory_space<vmem_shared>>)
        tpu.yield
      }) : () -> ()
      %scan3A_38 = arith.constant 0 : i32
      scf.yield %scan3A_38 : i32
    }
    %scan3A_20 = arith.constant 79 : i32
    %barrier3A_21 = arith.constant 0 : index
    tpu.barrier barrier_id(%barrier3A_21)
    %mul3A_22 = arith.constant 640 : i32
    %mul3A_23 = arith.muli %arg1, %mul3A_22 : i32
    %mul3A_24 = arith.constant 640 : i32
    %mul3A_25 = arith.muli %arg1, %mul3A_24 : i32
    "tpu.region"() ({
      %run_scoped3A = tpu.sem_alloc : memref<!tpu.dma_semaphore, #tpu.memory_space<semaphore_mem>>
      %dma_start3A = arith.constant 0 : i32
      %dma_start3A_26 = arith.constant 0 : i32
      %dma_start3A_27 = tpu.memref_slice %arg5[%arg0, %dma_start3A, %dma_start3A_26] : memref<2x10240x128xf32, #tpu.memory_space<hbm>> -> memref<1x10240x128xf32, #tpu.memory_space<hbm>>
      %dma_start3A_28 = tpu.memref_squeeze %dma_start3A_27 : memref<1x10240x128xf32, #tpu.memory_space<hbm>> -> memref<10240x128xf32, #tpu.memory_space<hbm>>
      %dma_start3A_29 = arith.constant 0 : i32
      %dma_start3A_30 = tpu.memref_slice %dma_start3A_28[%mul3A_25, %dma_start3A_29] : memref<10240x128xf32, #tpu.memory_space<hbm>> -> memref<640x128xf32, #tpu.memory_space<hbm>>
      %dma_start3A_31 = arith.constant 0 : i32
      %dma_start3A_32 = tpu.memref_slice %arg10[%mul3A_23, %dma_start3A_31] : memref<10240x128xf32, #tpu.memory_space<vmem_shared>> -> memref<640x128xf32, #tpu.memory_space<vmem_shared>>
      tpu.enqueue_dma source(%dma_start3A_32 : memref<640x128xf32, #tpu.memory_space<vmem_shared>>) target(%dma_start3A_30 : memref<640x128xf32, #tpu.memory_space<hbm>>) target_semaphore(%run_scoped3A : memref<!tpu.dma_semaphore, #tpu.memory_space<semaphore_mem>>)
      %dma_wait3A = arith.constant 0 : i32
      %dma_wait3A_33 = arith.constant 0 : i32
      %dma_wait3A_34 = tpu.memref_slice %arg5[%arg0, %dma_wait3A, %dma_wait3A_33] : memref<2x10240x128xf32, #tpu.memory_space<hbm>> -> memref<1x10240x128xf32, #tpu.memory_space<hbm>>
      %dma_wait3A_35 = tpu.memref_squeeze %dma_wait3A_34 : memref<1x10240x128xf32, #tpu.memory_space<hbm>> -> memref<10240x128xf32, #tpu.memory_space<hbm>>
      %dma_wait3A_36 = arith.constant 0 : i32
      %dma_wait3A_37 = tpu.memref_slice %dma_wait3A_35[%mul3A_25, %dma_wait3A_36] : memref<10240x128xf32, #tpu.memory_space<hbm>> -> memref<640x128xf32, #tpu.memory_space<hbm>>
      %dma_wait3A_38 = arith.constant 0 : i32
      %dma_wait3A_39 = tpu.memref_slice %arg10[%mul3A_23, %dma_wait3A_38] : memref<10240x128xf32, #tpu.memory_space<vmem_shared>> -> memref<640x128xf32, #tpu.memory_space<vmem_shared>>
      tpu.wait_dma2 semaphore(%run_scoped3A : memref<!tpu.dma_semaphore, #tpu.memory_space<semaphore_mem>>) src(%dma_wait3A_39 : memref<640x128xf32, #tpu.memory_space<vmem_shared>>) dst(%dma_wait3A_37 : memref<640x128xf32, #tpu.memory_space<hbm>>)
      tpu.yield
    }) : () -> ()
    return
  }
}

module attributes {stable_mosaic.version = 14 : i64} {
  func.func @body(%arg0: memref<10000x128xf32, #tpu.memory_space<vmem>>, %arg1: memref<128x128xf32, #tpu.memory_space<vmem>>, %arg2: memref<2x10240xf32, #tpu.memory_space<vmem>>, %arg3: memref<10000x128xf32, #tpu.memory_space<vmem>>, %arg4: memref<10000xf32, #tpu.memory_space<vmem>>) attributes {dimension_semantics = [], scalar_prefetch = 0 : i64, scratch_operands = 0 : i64, tpu.core_type = #tpu.core_type<tc>} {
    %get3A = arith.constant 0 : index
    %get3A_0 = arith.constant 0 : index
    %get3A_1 = vector.load %arg2[%get3A, %get3A_0] : memref<2x10240xf32, #tpu.memory_space<vmem>>, vector<1x10000xf32>
    %get3A_2 = vector.shape_cast %get3A_1 : vector<1x10000xf32> to vector<10000xf32>
    %get3A_3 = arith.constant 1 : index
    %get3A_4 = arith.constant 0 : index
    %get3A_5 = vector.load %arg2[%get3A_3, %get3A_4] : memref<2x10240xf32, #tpu.memory_space<vmem>>, vector<1x10000xf32>
    %get3A_6 = vector.shape_cast %get3A_5 : vector<1x10000xf32> to vector<10000xf32>
    %add3A = arith.addf %get3A_2, %get3A_6 : vector<10000xf32>
    %add3A_7 = arith.constant 1.000000e+00 : f32
    %add3A_8 = vector.broadcast %add3A_7 : f32 to vector<10000xf32>
    %add3A_9 = arith.addf %add3A, %add3A_8 : vector<10000xf32>
    %rsqrt3A = math.rsqrt %add3A_9 : vector<10000xf32>
    %get3A_10 = arith.constant 0 : index
    %get3A_11 = arith.constant 0 : index
    %get3A_12 = vector.load %arg0[%get3A_10, %get3A_11] : memref<10000x128xf32, #tpu.memory_space<vmem>>, vector<10000x128xf32>
    %get3A_13 = arith.constant 0 : index
    %get3A_14 = arith.constant 0 : index
    %get3A_15 = vector.load %arg1[%get3A_13, %get3A_14] : memref<128x128xf32, #tpu.memory_space<vmem>>, vector<128x128xf32>
    %dot_general3A = arith.constant dense<0.000000e+00> : vector<10000x128xf32>
    %dot_general3A_16 = tpu.matmul %get3A_12, %get3A_15, %dot_general3A {dimension_numbers = #tpu.dot_dimension_numbers<[1], [0], [0], [1], [0, 0, 1, 1], [], []>, transpose_lhs_hint = false} : vector<10000x128xf32>, vector<128x128xf32>, vector<10000x128xf32> -> vector<10000x128xf32>
    %broadcast_in_dim3A = vector.shape_cast %rsqrt3A : vector<10000xf32> to vector<10000x1xf32>
    %mul3A = vector.broadcast %broadcast_in_dim3A : vector<10000x1xf32> to vector<10000x128xf32>
    %mul3A_17 = arith.mulf %dot_general3A_16, %mul3A : vector<10000x128xf32>
    %swap3A = arith.constant 0 : index
    %swap3A_18 = arith.constant 0 : index
    %swap3A_19 = vector.load %arg3[%swap3A, %swap3A_18] : memref<10000x128xf32, #tpu.memory_space<vmem>>, vector<10000x128xf32>
    tpu.vector_store %arg3[%swap3A, %swap3A_18], %mul3A_17 {strides = array<i32>} : memref<10000x128xf32, #tpu.memory_space<vmem>>, vector<10000x128xf32>,
    %swap3A_20 = arith.constant 0 : index
    %swap3A_21 = vector.load %arg4[%swap3A_20] : memref<10000xf32, #tpu.memory_space<vmem>>, vector<10000xf32>
    tpu.vector_store %arg4[%swap3A_20], %rsqrt3A {strides = array<i32>} : memref<10000xf32, #tpu.memory_space<vmem>>, vector<10000xf32>,
    return
  }
}

module attributes {stable_mosaic.version = 14 : i64} {
  func.func @body(%arg0: memref<2x10240x128xf32, #tpu.memory_space<vmem>>, %arg1: memref<10000x128xf32, #tpu.memory_space<vmem>>, %arg2: memref<10000xf32, #tpu.memory_space<vmem>>, %arg3: memref<128xf32, #tpu.memory_space<vmem>>, %arg4: memref<10000x128xf32, #tpu.memory_space<vmem>>) attributes {dimension_semantics = [], scalar_prefetch = 0 : i64, scratch_operands = 0 : i64, tpu.core_type = #tpu.core_type<tc>} {
    %get3A = arith.constant 0 : index
    %get3A_0 = arith.constant 0 : index
    %get3A_1 = arith.constant 0 : index
    %get3A_2 = vector.load %arg0[%get3A, %get3A_0, %get3A_1] : memref<2x10240x128xf32, #tpu.memory_space<vmem>>, vector<1x10000x128xf32>
    %get3A_3 = vector.shape_cast %get3A_2 : vector<1x10000x128xf32> to vector<10000x128xf32>
    %get3A_4 = arith.constant 1 : index
    %get3A_5 = arith.constant 0 : index
    %get3A_6 = arith.constant 0 : index
    %get3A_7 = vector.load %arg0[%get3A_4, %get3A_5, %get3A_6] : memref<2x10240x128xf32, #tpu.memory_space<vmem>>, vector<1x10000x128xf32>
    %get3A_8 = vector.shape_cast %get3A_7 : vector<1x10000x128xf32> to vector<10000x128xf32>
    %add3A = arith.addf %get3A_3, %get3A_8 : vector<10000x128xf32>
    %get3A_9 = arith.constant 0 : index
    %get3A_10 = vector.load %arg2[%get3A_9] : memref<10000xf32, #tpu.memory_space<vmem>>, vector<10000xf32>
    %broadcast_in_dim3A = vector.shape_cast %get3A_10 : vector<10000xf32> to vector<10000x1xf32>
    %get3A_11 = arith.constant 0 : index
    %get3A_12 = arith.constant 0 : index
    %get3A_13 = vector.load %arg1[%get3A_11, %get3A_12] : memref<10000x128xf32, #tpu.memory_space<vmem>>, vector<10000x128xf32>
    %add3A_14 = arith.addf %add3A, %get3A_13 : vector<10000x128xf32>
    %mul3A = vector.broadcast %broadcast_in_dim3A : vector<10000x1xf32> to vector<10000x128xf32>
    %mul3A_15 = arith.mulf %mul3A, %add3A_14 : vector<10000x128xf32>
    %get3A_16 = arith.constant 0 : index
    %get3A_17 = vector.load %arg3[%get3A_16] : memref<128xf32, #tpu.memory_space<vmem>>, vector<128xf32>
    %broadcast_in_dim3A_18 = vector.shape_cast %get3A_17 : vector<128xf32> to vector<1x128xf32>
    %add3A_19 = vector.broadcast %broadcast_in_dim3A_18 : vector<1x128xf32> to vector<10000x128xf32>
    %add3A_20 = arith.addf %mul3A_15, %add3A_19 : vector<10000x128xf32>
    %max3A = arith.constant 0.000000e+00 : f32
    %max3A_21 = vector.broadcast %max3A : f32 to vector<10000x128xf32>
    %max3A_22 = arith.maximumf %add3A_20, %max3A_21 : vector<10000x128xf32>
    %broadcast_in_dim3A_23 = vector.shape_cast %get3A_10 : vector<10000xf32> to vector<10000x1xf32>
    %mul3A_24 = vector.broadcast %broadcast_in_dim3A_23 : vector<10000x1xf32> to vector<10000x128xf32>
    %mul3A_25 = arith.mulf %max3A_22, %mul3A_24 : vector<10000x128xf32>
    %swap3A = arith.constant 0 : index
    %swap3A_26 = arith.constant 0 : index
    %swap3A_27 = vector.load %arg4[%swap3A, %swap3A_26] : memref<10000x128xf32, #tpu.memory_space<vmem>>, vector<10000x128xf32>
    tpu.vector_store %arg4[%swap3A, %swap3A_26], %mul3A_25 {strides = array<i32>} : memref<10000x128xf32, #tpu.memory_space<vmem>>, vector<10000x128xf32>,
    return
  }
}

module attributes {stable_mosaic.version = 14 : i64} {
  func.func @body(%arg0: memref<2x10240x128xf32, #tpu.memory_space<vmem>>, %arg1: memref<10000x128xf32, #tpu.memory_space<vmem>>, %arg2: memref<10000xf32, #tpu.memory_space<vmem>>, %arg3: memref<128x64xf32, #tpu.memory_space<vmem>>, %arg4: memref<64xf32, #tpu.memory_space<vmem>>, %arg5: memref<10000x64xf32, #tpu.memory_space<vmem>>) attributes {dimension_semantics = [], scalar_prefetch = 0 : i64, scratch_operands = 0 : i64, tpu.core_type = #tpu.core_type<tc>} {
    %get3A = arith.constant 0 : index
    %get3A_0 = arith.constant 0 : index
    %get3A_1 = arith.constant 0 : index
    %get3A_2 = vector.load %arg0[%get3A, %get3A_0, %get3A_1] : memref<2x10240x128xf32, #tpu.memory_space<vmem>>, vector<1x10000x128xf32>
    %get3A_3 = vector.shape_cast %get3A_2 : vector<1x10000x128xf32> to vector<10000x128xf32>
    %get3A_4 = arith.constant 1 : index
    %get3A_5 = arith.constant 0 : index
    %get3A_6 = arith.constant 0 : index
    %get3A_7 = vector.load %arg0[%get3A_4, %get3A_5, %get3A_6] : memref<2x10240x128xf32, #tpu.memory_space<vmem>>, vector<1x10000x128xf32>
    %get3A_8 = vector.shape_cast %get3A_7 : vector<1x10000x128xf32> to vector<10000x128xf32>
    %add3A = arith.addf %get3A_3, %get3A_8 : vector<10000x128xf32>
    %get3A_9 = arith.constant 0 : index
    %get3A_10 = vector.load %arg2[%get3A_9] : memref<10000xf32, #tpu.memory_space<vmem>>, vector<10000xf32>
    %broadcast_in_dim3A = vector.shape_cast %get3A_10 : vector<10000xf32> to vector<10000x1xf32>
    %get3A_11 = arith.constant 0 : index
    %get3A_12 = arith.constant 0 : index
    %get3A_13 = vector.load %arg1[%get3A_11, %get3A_12] : memref<10000x128xf32, #tpu.memory_space<vmem>>, vector<10000x128xf32>
    %add3A_14 = arith.addf %add3A, %get3A_13 : vector<10000x128xf32>
    %mul3A = vector.broadcast %broadcast_in_dim3A : vector<10000x1xf32> to vector<10000x128xf32>
    %mul3A_15 = arith.mulf %mul3A, %add3A_14 : vector<10000x128xf32>
    %get3A_16 = arith.constant 0 : index
    %get3A_17 = arith.constant 0 : index
    %get3A_18 = vector.load %arg3[%get3A_16, %get3A_17] : memref<128x64xf32, #tpu.memory_space<vmem>>, vector<128x64xf32>
    %dot_general3A = arith.constant dense<0.000000e+00> : vector<10000x64xf32>
    %dot_general3A_19 = tpu.matmul %mul3A_15, %get3A_18, %dot_general3A {dimension_numbers = #tpu.dot_dimension_numbers<[1], [0], [0], [1], [0, 0, 1, 1], [], []>, transpose_lhs_hint = false} : vector<10000x128xf32>, vector<128x64xf32>, vector<10000x64xf32> -> vector<10000x64xf32>
    %get3A_20 = arith.constant 0 : index
    %get3A_21 = vector.load %arg4[%get3A_20] : memref<64xf32, #tpu.memory_space<vmem>>, vector<64xf32>
    %broadcast_in_dim3A_22 = vector.shape_cast %get3A_21 : vector<64xf32> to vector<1x64xf32>
    %add3A_23 = vector.broadcast %broadcast_in_dim3A_22 : vector<1x64xf32> to vector<10000x64xf32>
    %add3A_24 = arith.addf %dot_general3A_19, %add3A_23 : vector<10000x64xf32>
    %reduce_max3A = arith.constant dense<0xFF800000> : vector<10000xf32>
    %reduce_max3A_25 = vector.multi_reduction <maximumf>, %add3A_24, %reduce_max3A [1] : vector<10000x64xf32> to vector<10000xf32>
    %broadcast_in_dim3A_26 = vector.shape_cast %reduce_max3A_25 : vector<10000xf32> to vector<10000x1xf32>
    %sub3A = vector.broadcast %broadcast_in_dim3A_26 : vector<10000x1xf32> to vector<10000x64xf32>
    %sub3A_27 = arith.subf %add3A_24, %sub3A : vector<10000x64xf32>
    %exp3A = math.exp %sub3A_27 : vector<10000x64xf32>
    %reduce_sum3A = arith.constant dense<0.000000e+00> : vector<10000xf32>
    %reduce_sum3A_28 = vector.multi_reduction <add>, %exp3A, %reduce_sum3A [1] : vector<10000x64xf32> to vector<10000xf32>
    %broadcast_in_dim3A_29 = vector.shape_cast %reduce_sum3A_28 : vector<10000xf32> to vector<10000x1xf32>
    %log3A = math.log %broadcast_in_dim3A_29 : vector<10000x1xf32>
    %sub3A_30 = vector.broadcast %broadcast_in_dim3A_26 : vector<10000x1xf32> to vector<10000x64xf32>
    %sub3A_31 = arith.subf %add3A_24, %sub3A_30 : vector<10000x64xf32>
    %sub3A_32 = vector.broadcast %log3A : vector<10000x1xf32> to vector<10000x64xf32>
    %sub3A_33 = arith.subf %sub3A_31, %sub3A_32 : vector<10000x64xf32>
    %swap3A = arith.constant 0 : index
    %swap3A_34 = arith.constant 0 : index
    %swap3A_35 = vector.load %arg5[%swap3A, %swap3A_34] : memref<10000x64xf32, #tpu.memory_space<vmem>>, vector<10000x64xf32>
    tpu.vector_store %arg5[%swap3A, %swap3A_34], %sub3A_33 {strides = array<i32>} : memref<10000x64xf32, #tpu.memory_space<vmem>>, vector<10000x64xf32>,
    return
  }
}

</mosaic_0001>

<sc_bundles>
// kernel: kernel.11.cloned.1.call-start
scs
__scs_entry_jumppad:
0x0: {  	(pc) =	sbr.rel $0x88, $3  }
0x1: {  	(tag) =	ssettag $0x0;
	lr =	simm.s32 $0x1  }
0x2: {  	[smem:$0x3F9B] =	sst lr;
	_ =	strace $0xD0000000  }
0x3: {  	_ = 	snop  }
0x4: {  	_ = 	snop  }
0x5: {  	_ = 	snop  }
0x6: {  	_ = 	snop  }
0x7: {  	_ = 	snop  }
__scs_overlays_trampoline_lowered:
0x8: {  	[smem:$0x3FAA] =	sst s0  }
0x9: {  	[smem:$0x3FAB] =	sst s1  }
0xa: {  	[smem:$0x3FAC] =	sst s2  }
0xb: {  	[smem:$0x3FAD] =	sst s3  }
0xc: {  	[smem:$0x3FAE] =	sst s4  }
0xd: {  	[smem:$0x3FAF] =	sst s5  }
0xe: {  	[smem:$0x3FB0] =	sst s6  }
0xf: {  	[smem:$0x3FB1] =	sst s7  }
0x10: {  	[smem:$0x3FB2] =	sst s8  }
0x11: {  	[smem:$0x3FB3] =	sst s9;
	s0 =	simm.s32 @!p0 $0x0  }
0x12: {  	s1 =	sld [smem:$0x3F99];
	s0 =	simm.s32 @p0 $0x1  }
0x13: {  	[smem:$0x3FB4] =	sst s0;
	s0 =	simm.s32 @!p1 $0x0  }
0x14: {  	s2 =	sld [smem:$0x3F98];
	s0 =	simm.s32 @p1 $0x1  }
0x15: {  	[smem:$0x3FB5] =	sst s0;
	s0 =	simm.s32 @!p2 $0x0  }
0x16: {  	s3 =	sld [smem:$0x3FDB];
	s0 =	simm.s32 @p2 $0x1  }
0x17: {  	s4 =	simm.s32 $0x1BF5;
	[smem:$0x3FB7] =	sst s0  }
0x18: {  	s0 =	sld [smem:$0x3F9A];
	_ =	swait.ge [sflag:s4], $0x0  }
0x19: {  	s7 =	sld [smem:$0x3F9B]  }
0x1a: {  	s8 =	sadd.s32 $0xFFFFE003, lr  }
0x1b: {  	s9 =	sadd.s32 $0xFFFFFEF7, lr;
	s5 =	simm.s32 $0xFFFFFFFF;
	p2 =	slt.u32 s8, $0xFFFFF086  }
0x1c: {  	p1 =	slt.u32 s9, $0xF7A;
	s5 =	simm.s32 @!p2 $0x0  }
0x1d: {  	s5 =	simm.s32 @p1 $0x1;
	p0 =	seq.s32 s7, s2  }
0x1e: {  	s7 =	smul.u32 @!p0 $0xF7A, s2;
	p2 =	seq.s32 @!p0 s5, $0x0  }
0x1f: {  	s9 =	smul.u32 $0xF7A, s1;
	s8 =	simm.s32 @!p0 $0x1BF5;
	p2 =	por !p2, p0  }
0x20: {  	[sflag:s8] =	ssyncset.s32 @!p0 $0xFFFFF086;
	s6 =	sadd.s32 @!p0 s3, s7;
	s7 =	simm.s32 @!p0 $0x108  }
0x21: {  	s3 =	sadd.s32 s3, s9;
	s6 =	sadd.s32 @!p0 $0x88, s6;
	s7 =	simm.s32 @p2 $0x1082  }
0x22: {  	[simem:s7], [sflag:s8] =	dma.local @!p0 [hbm:s6], $0xF7A  }
0x23: {  	s9 =	sor.u32 $0xD0000000, s2;
	s6 =	simm.s32 $0x108;
	_ =	swait.ge @!p0 [sflag:s8], $0x0  }
0x24: {  	s3 =	sadd.s32 $0x88, s3;
	s6 =	simm.s32 @!p1 $0x1082;
	[sflag:s4] =	ssyncset.s32 $0xFFFFF086  }
0x25: {  	[simem:s6], [sflag:s4] =	dma.local [hbm:s3], $0xF7A  }
0x26: {  	[smem:$0x3F9B] =	sst s1;
	(tag) =	ssettag s2;
	_ =	strace s9  }
0x27: {  	s1 =	sld [smem:$0x3FAB]  }
0x28: {  	s2 =	sld [smem:$0x3FAC]  }
0x29: {  	s4 =	sld [smem:$0x3FAE]  }
0x2a: {  	p0 =	seq.s32 s5, $0x0;
	s5 =	sld [smem:$0x3FAF]  }
0x2b: {  	s6 =	sld [smem:$0x3FB0]  }
0x2c: {  	s7 =	sld [smem:$0x3FB1]  }
0x2d: {  	s3 =	simm.s32 $0x108;
	s8 =	sld [smem:$0x3FB2]  }
0x2e: {  	s3 =	simm.s32 @!p0 $0x1082;
	s9 =	sld [smem:$0x3FB3]  }
0x2f: {  	lr =	sadd.s32 s0, s3;
	s0 =	sld [smem:$0x3FAA]  }
0x30: {  	s3 =	sld [smem:$0x3FAD]  }
0x31: {  	[smem:$0x3FB6] =	sst s10  }
0x32: {  	s10 =	sld [smem:$0x3FB4];
	_ =	sdelay $0x3  }
0x33: {  	p0 =	seq.s32 s10, $0x1;
	s10 =	sld [smem:$0x3FB6];
	_ =	sdelay $0x3  }
0x34: {  	[smem:$0x3FB6] =	sst s10  }
0x35: {  	s10 =	sld [smem:$0x3FB5];
	_ =	sdelay $0x3  }
0x36: {  	p1 =	seq.s32 s10, $0x1;
	s10 =	sld [smem:$0x3FB6];
	_ =	sdelay $0x3  }
0x37: {  	[smem:$0x3FB6] =	sst s10  }
0x38: {  	s10 =	sld [smem:$0x3FB7]  }
0x39: {  	_ = 	snop;
	(pc) =	sbr.ind lr, $3  }
0x3a: {  	_ = 	snop  }
0x3b: {  	_ = 	snop  }
0x3c: {  	p2 =	seq.s32 s10, $0x1;
	s10 =	sld [smem:$0x3FB6]  }
0x3d: {  	_ =	shalt  }
0x3e: {  	_ =	shalt  }
0x3f: {  	_ =	shalt  }
0x40: {  	_ =	shalt  }
0x41: {  	_ =	shalt  }
0x42: {  	_ =	shalt  }
0x43: {  	_ =	shalt  }
0x44: {  	_ =	shalt  }
0x45: {  	_ =	shalt  }
0x46: {  	_ =	shalt  }
0x47: {  	_ =	shalt  }
0x48: {  	_ =	shalt  }
0x49: {  	_ =	shalt  }
0x4a: {  	_ =	shalt  }
0x4b: {  	_ =	shalt  }
0x4c: {  	_ =	shalt  }
0x4d: {  	_ =	shalt  }
0x4e: {  	_ =	shalt  }
0x4f: {  	_ =	shalt  }
0x50: {  	_ =	shalt  }
0x51: {  	_ =	shalt  }
0x52: {  	_ =	shalt  }
0x53: {  	_ =	shalt  }
0x54: {  	_ =	shalt  }
0x55: {  	_ =	shalt  }
0x56: {  	_ =	shalt  }
0x57: {  	_ =	shalt  }
0x58: {  	_ =	shalt  }
0x59: {  	_ =	shalt  }
0x5a: {  	_ =	shalt  }
0x5b: {  	_ =	shalt  }
0x5c: {  	_ =	shalt  }
0x5d: {  	_ =	shalt  }
0x5e: {  	_ =	shalt  }
0x5f: {  	_ =	shalt  }
0x60: {  	_ =	shalt  }
0x61: {  	_ =	shalt  }
0x62: {  	_ =	shalt  }
0x63: {  	_ =	shalt  }
0x64: {  	_ =	shalt  }
0x65: {  	_ =	shalt  }
0x66: {  	_ =	shalt  }
0x67: {  	_ =	shalt  }
0x68: {  	_ =	shalt  }
0x69: {  	_ =	shalt  }
0x6a: {  	_ =	shalt  }
0x6b: {  	_ =	shalt  }
0x6c: {  	_ =	shalt  }
0x6d: {  	_ =	shalt  }
0x6e: {  	_ =	shalt  }
0x6f: {  	_ =	shalt  }
0x70: {  	_ =	shalt  }
0x71: {  	_ =	shalt  }
0x72: {  	_ =	shalt  }
0x73: {  	_ =	shalt  }
0x74: {  	_ =	shalt  }
0x75: {  	_ =	shalt  }
0x76: {  	_ =	shalt  }
0x77: {  	_ =	shalt  }
0x78: {  	_ =	shalt  }
0x79: {  	_ =	shalt  }
0x7a: {  	_ =	shalt  }
0x7b: {  	_ =	shalt  }
0x7c: {  	_ =	shalt  }
0x7d: {  	_ =	shalt  }
0x7e: {  	_ =	shalt  }
0x7f: {  	_ =	shalt  }
0x80: {  	_ =	shalt  }
0x81: {  	_ =	shalt  }
0x82: {  	_ =	shalt  }
0x83: {  	_ =	shalt  }
0x84: {  	_ =	shalt  }
0x85: {  	_ =	shalt  }
0x86: {  	_ =	shalt  }
0x87: {  	_ =	shalt  }
.Lfunc_end0:
.L_simem_size_0:
called_computation.1_lowered:
.L_overlay_start_0:
0x88: {  	s2 =	sld [smem:$0x3FD9]  }
0x89: {  	s3 =	sld [smem:$0x3FFE];
	_ =	sdelay $0x1  }
0x8a: {  	s1 =	srdreg.scid  }
0x8b: {  	s0 =	sand.u32 $0x1, s1  }
0x8c: {  	s17 =	sshll.u32 s0, $0xA;
	s2 =	sadd.s32 s3, s2  }
0x8d: {  	s2 =	sadd.s32 s2, s17  }
0x8e: {  	[smem:$0x3FC2] =	sst s2  }
0x8f: {  	_ = 	snop  }
0x90: {  	s2 =	sld [smem:$0x3FD0];
	(tm) =	ssettm $0x1  }
0x91: {  	s18 =	sld [smem:$0x3FFB];
	_ =	sdelay $0x3  }
0x92: {  	_ =	strace s18  }
0x93: {  	s3 =	sld [smem:$0x3FFC];
	_ =	sdelay $0x3  }
0x94: {  	_ =	strace s3  }
0x95: {  	s3 =	sld [smem:$0x3FFD];
	_ =	sdelay $0x3  }
0x96: {  	_ =	strace s3  }
0x97: {  	_ =	strace $0x8FFFFFFF  }
0x98: {  	s19 =	sld [smem:$0x3FDB];
	_ =	sdelay $0x1  }
0x99: {  	s4 =	simm.s32 $_scs_section_size  }
0x9a: {  	s5 =	simm.s32 $_size__tile_overlayer_lowered;
	s6 =	simm.s32 $_tile_overlayer_lowered  }
0x9b: {  	s22 =	simm.s32 $0x1BFF;
	s21 =	sshll.u32 s6, $0x1;
	s3 =	sadd.s32 s4, s19  }
0x9c: {  	s7 =	simm.s32 $0x0;
	s20 =	sshll.u32 s5, $0x1;
	s5 =	sadd.s32 s21, s3  }
0x9d: {  	[timem:s7], [sflag:s22] =	dma.local [hbm:s5], s20  }
0x9e: {  	_ =	swait.ge [sflag:s22], s20  }
0x9f: {  	s4 =	ssub.s32 $0x0, s20;
	[sflag:s22] =	ssyncset.done $0x0  }
0xa0: {  	[sflag:s22] =	ssyncadd.s32 s4;
	_ =	sdelay $0x1  }
0xa1: {  	s23 =	simm.s32 $0x1B8B  }
0xa2: {  	_ =	swait.ge [sflag:s23], $0x1  }
0xa3: {  	[sflag:s23] =	ssyncset.done $0x0  }
0xa4: {  	s25 =	simm.s32 $0x1B8E;
	s24 =	sld [smem:$0x3FFE];
	[sflag:s23] =	ssyncadd.s32 $0xFFFFFFFF  }
0xa5: {  	s26 =	simm.s32 $execute0_lowered;
	[smem:$0x3FD2] =	sst s25  }
0xa6: {  	s5 =	sshll.u32 s26, $0x1;
	_ =	strace $0x80000049;
	[dreg:$0x1] =	wrdreg $0xFFFFFFFF  }
0xa7: {  	s28 =	simm.s32 $_size_execute0_lowered;
	s3 =	sadd.s32 s3, s5;
	[dreg:$0x0] =	wrdreg $0x0  }
0xa8: {  	s5 =	sshll.u32 s28, $0x1;
	[dreg:$0x2] =	wrdreg s3  }
0xa9: {  	[dreg:$0x3] =	wrdreg s5  }
0xaa: {  	[dreg:$0x4] =	wrdreg $0xC0  }
0xab: {  	_ =	task [dreg:s7], $0x5FFFF  }
0xac: {  	[dreg:$0x1] =	wrdreg $0xFFFFFFFF  }
0xad: {  	[dreg:$0x0] =	wrdreg $0x60  }
0xae: {  	[dreg:$0x2] =	wrdreg s24  }
0xaf: {  	[dreg:$0x3] =	wrdreg s2  }
0xb0: {  	[dreg:$0x4] =	wrdreg $0xB0000  }
0xb1: {  	[dreg:$0x5] =	wrdreg $0x9  }
0xb2: {  	_ =	task.clear_ibuf [dreg:s7], $0x6FFFF;
	_ =	strace $0x90000049  }
0xb3: {  	s29 =	simm.s32 $0x9;
	_ =	strace $0x8000004B  }
0xb4: {  	_ =	swait.ge [sflag:s29], $0x1  }
0xb5: {  	[sflag:s29] =	ssyncadd.s32 $0xFFFFFFFF  }
0xb6: {  	_ =	strace $0x9000004B  }
0xb7: {  	_ =	sfence  }
0xb8: {  	s30 =	sld [smem:$0x0];
	_ =	sdelay $0x2  }
0xb9: {  	s31 =	sshll.u32 s1, $0xD;
	s1 =	sshrl.u32 s1, $0x2  }
0xba: {  	s3 =	sand.u32 $0x4000, s31;
	s1 =	sadd.s32 s1, s30  }
0xbb: {  	s0 =	sor.u32 s3, s0;
	s1 =	sshll.u32 s1, $0x11  }
0xbc: {  	s0 =	sor.u32 s1, s0  }
0xbd: {  	s0 =	sadd.s32 $0x8F2B, s0  }
0xbe: {  	[sflag:s0] =	ssyncadd.remote.s32 $0x1  }
0xbf: {  	_ =	sfence.sel $0xFFFF  }
0xc0: {  	[dreg:$0x0] =	wrdreg $0xFFFFFFFF;
	(pc) =	sbr.abs _section_cstart, $3  }
0xc1: {  	[dreg:$0x1] =	wrdreg $0xFFFFFFFF  }
0xc2: {  	_ =	task.clear_ibuf [dreg:s7], $0x2FFFF;
	_ =	strace $0x9FFFFFFF  }
0xc3: {  	(tm) =	ssettm $0x7FFFFFFF  }
tec
execute0_lowered:
.L_overlay_start_1:
0x0: {  	(tag) =	ssettag $0x1  }
0x1: {  	s5 =	rddreg [dreg:$0x0]  }
0x2: {  	s1 =	srdreg.scid;
	s7 =	rddreg [dreg:$0x1]  }
0x3: {  	s0 =	stileid.u32;
	s2 =	rddreg [dreg:$0x2];
	s3 =	simm.s32 $0x0  }
0x4: {  	s18 =	simm.s32 $0x9000;
	s19 =	simm.s32 $0x2;
	s20 =	simm.s32 $0x2800  }
0x5: {  	s21 =	simm.s32 $0x80;
	s22 =	simm.s32 $0x5000;
	s23 =	simm.s32 $0x1  }
0x6: {  	s6 =	sand.u32 $0x1, s1;
	s1 =	rddreg [dreg:$0x3];
	s10 =	smul.u32 $0x50000, s0  }
0x7: {  	s30 =	sshll.u32 s0, $0x1;
	[smem:$0x7FF] =	sst s3;
	s25 =	smul.u32 $0x2800, s0  }
0x8: {  	s4 =	sor.u32 s6, s30;
	s9 =	smul.u32 $0x28000, s6;
	_ =	strace $0x8000004A  }
0x9: {  	s6 =	ssub.s32 $0x2, s6;
	s8 =	smul.u32 $0x500, s4;
	s4 =	sadd.s32 $0xD400, s5  }
0xa: {  	s31 =	sshrl.u32 s6, $0x1;
	s10 =	sshrl.u32 s10, $0x2;
	s9 =	sadd.s32 s9, s5  }
0xb: {  	s12 =	ssub.s32 s6, s31;
	s11 =	sadd.s32 s8, s5;
	s5 =	sadd.s32 s10, s2  }
0xc: {  	s7 =	sadd.s32 s7, s8;
	s24 =	sadd.s32 $0x34600, s9;
	s8 =	smax.u32 s12, $0x1  }
0xd: {  	s6 =	sadd.s32 $0x3400, s11;
	s9 =	sadd.s32 $0x2000, s5;
	s10 =	sadd.s32 $0x4000, s5  }
0xe: {  	s11 =	sadd.s32 $0x6000, s5;
	s12 =	sadd.s32 $0x8000, s5;
	s13 =	sadd.s32 $0xA000, s5  }
0xf: {  	s14 =	sadd.s32 $0xC000, s5;
	s15 =	sadd.s32 $0xE000, s5;
	s16 =	sadd.s32 $0x10000, s5  }
0x10: {  	v0 =	vimm.f32 $0.0e+00;
	s17 =	sadd.s32 $0x12000, s5;
	s24 =	sadd.s32 s25, s24;
	s25 =	simm.s32 $0x0  }
.LBB2_1:
0x11: {  	s26 =	sand.u32 $0x7E00, s3  }
0x12: {  	s28 =	sand.u32 $0x70, s3;
	s29 =	sshrl.u32 s26, $0x2  }
0x13: {  	s26 =	simm.s32 $0x40;
	s29 =	sor.u32 s28, s29;
	s28 =	simm.s32 $0x0  }
.LBB2_2:
0x14: {  	p0 =	sne.s32 s26, $0x7FC0  }
0x15: {  	[tilespmem:s29+$0x9000] =	vst v0;
	s28 =	sadd.s32 $0x10, s28;
	s29 =	smov.u32 s26;
	s26 =	sadd.s32 $0x40, s26  }
.Ltmp0:
0x16: {  	(pc) =	sbr.rel @p0 .LBB2_2-.Ltmp0, $4  }
0x17: {  	_ = 	snop  }
0x18: {  	s29 =	sand.u32 $0x7E00, s29  }
0x19: {  	s30 =	sand.u32 $0x70, s28;
	s29 =	sshrl.u32 s29, $0x2  }
0x1a: {  	s29 =	sor.u32 s30, s29  }
0x1b: {  	[tilespmem:s29+$0x9000] =	vst v0  }
0x1c: {  	[spmem:s5] =	stream.linear.scatter [tilespmem:s18], [sflag:$0x2], $0x2000, $0x38;
	[tilespmem:$0x1F000] =	vst v63  }
0x1d: {  	_ =	swait.ge [sflag:s19], $0x2000  }
0x1e: {  	[sflag:s19] =	ssyncset.done $0x0  }
0x1f: {  	[sflag:s19] =	ssyncadd.s32 $0xFFFFE000  }
0x20: {  	[spmem:s9] =	stream.linear.scatter [tilespmem:s18], [sflag:$0x2], $0x2000, $0x38;
	[tilespmem:$0x1F000] =	vst v63  }
0x21: {  	_ =	swait.ge [sflag:s19], $0x2000  }
0x22: {  	[sflag:s19] =	ssyncset.done $0x0  }
0x23: {  	[sflag:s19] =	ssyncadd.s32 $0xFFFFE000  }
0x24: {  	[spmem:s10] =	stream.linear.scatter [tilespmem:s18], [sflag:$0x2], $0x2000, $0x38;
	[tilespmem:$0x1F000] =	vst v63  }
0x25: {  	_ =	swait.ge [sflag:s19], $0x2000  }
0x26: {  	[sflag:s19] =	ssyncset.done $0x0  }
0x27: {  	[sflag:s19] =	ssyncadd.s32 $0xFFFFE000  }
0x28: {  	[spmem:s11] =	stream.linear.scatter [tilespmem:s18], [sflag:$0x2], $0x2000, $0x38;
	[tilespmem:$0x1F000] =	vst v63  }
0x29: {  	_ =	swait.ge [sflag:s19], $0x2000  }
0x2a: {  	[sflag:s19] =	ssyncset.done $0x0  }
0x2b: {  	[sflag:s19] =	ssyncadd.s32 $0xFFFFE000  }
0x2c: {  	[spmem:s12] =	stream.linear.scatter [tilespmem:s18], [sflag:$0x2], $0x2000, $0x38;
	[tilespmem:$0x1F000] =	vst v63  }
0x2d: {  	_ =	swait.ge [sflag:s19], $0x2000  }
0x2e: {  	[sflag:s19] =	ssyncset.done $0x0  }
0x2f: {  	[sflag:s19] =	ssyncadd.s32 $0xFFFFE000  }
0x30: {  	[spmem:s13] =	stream.linear.scatter [tilespmem:s18], [sflag:$0x2], $0x2000, $0x38;
	[tilespmem:$0x1F000] =	vst v63  }
0x31: {  	_ =	swait.ge [sflag:s19], $0x2000  }
0x32: {  	[sflag:s19] =	ssyncset.done $0x0  }
0x33: {  	[sflag:s19] =	ssyncadd.s32 $0xFFFFE000  }
0x34: {  	[spmem:s14] =	stream.linear.scatter [tilespmem:s18], [sflag:$0x2], $0x2000, $0x38;
	[tilespmem:$0x1F000] =	vst v63  }
0x35: {  	_ =	swait.ge [sflag:s19], $0x2000  }
0x36: {  	[sflag:s19] =	ssyncset.done $0x0  }
0x37: {  	[sflag:s19] =	ssyncadd.s32 $0xFFFFE000  }
0x38: {  	[spmem:s15] =	stream.linear.scatter [tilespmem:s18], [sflag:$0x2], $0x2000, $0x38;
	[tilespmem:$0x1F000] =	vst v63  }
0x39: {  	_ =	swait.ge [sflag:s19], $0x2000  }
0x3a: {  	[sflag:s19] =	ssyncset.done $0x0  }
0x3b: {  	[sflag:s19] =	ssyncadd.s32 $0xFFFFE000  }
0x3c: {  	[spmem:s16] =	stream.linear.scatter [tilespmem:s18], [sflag:$0x2], $0x2000, $0x38;
	[tilespmem:$0x1F000] =	vst v63  }
0x3d: {  	_ =	swait.ge [sflag:s19], $0x2000  }
0x3e: {  	[sflag:s19] =	ssyncset.done $0x0  }
0x3f: {  	[sflag:s19] =	ssyncadd.s32 $0xFFFFE000  }
0x40: {  	[spmem:s17] =	stream.linear.scatter [tilespmem:s18], [sflag:$0x2], $0x2000, $0x38;
	[tilespmem:$0x1F000] =	vst v63  }
0x41: {  	_ =	swait.ge [sflag:s19], $0x2000  }
0x42: {  	[sflag:s19] =	ssyncset.done $0x0  }
0x43: {  	[sflag:s19] =	ssyncadd.s32 $0xFFFFE000  }
0x44: {  	s26 =	simm.s32 $0x0;
	[bflag:$0x0] =	sbarrier.arrive $0xFFFF  }
0x45: {  	[tilespmem:s26], [sflag:$0x2] =	stream.linear.gather [hbm4b:s6+s26], $0x2780, $0x38;
	[tilespmem:$0x1F000] =	vst v63  }
0x46: {  	_ =	swait.ge [sflag:s19], $0x2780  }
0x47: {  	[sflag:s19] =	ssyncset.done $0x0  }
0x48: {  	[sflag:s19] =	ssyncadd.s32 $0xFFFFD880  }
0x49: {  	[tilespmem:s20], [sflag:$0x2] =	stream.linear.gather [hbm4b:s7+s26], $0x2780, $0x38;
	[tilespmem:$0x1F000] =	vst v63  }
0x4a: {  	_ =	swait.ge [sflag:s19], $0x2780  }
0x4b: {  	[sflag:s19] =	ssyncset.done $0x0  }
0x4c: {  	s30 =	simm.s32 $0x0;
	[sflag:s19] =	ssyncadd.s32 $0xFFFFD880  }
0x4d: {  	[tilespmem:s22], [sflag:$0x1] =	stream.indirect.gather [hbm4b:s4+s21], $0x80, s30, s21, $0xb8;
	[tilespmem:$0x1F000] =	vst v63  }
0x4e: {  	_ =	swait.ge [sflag:s23], $0x4000  }
0x4f: {  	[sflag:s23] =	ssyncset.done $0x0  }
0x50: {  	s31 =	simm.s32 $0x2800;
	[sflag:s23] =	ssyncadd.s32 $0xFFFFC000  }
0x51: {  	[spmem:s2] =	stream.indirect.scatter.add.f32 [tilespmem:s22], [sflag:$0x2], $0x80, s31, s21, $0xb8;
	[tilespmem:$0x1F000] =	vst v63  }
0x52: {  	_ =	swait.ge [sflag:s19], $0x4000  }
0x53: {  	s28 =	simm.s32 $0x400;
	s26 =	simm.s32 $0x200;
	[sflag:s19] =	ssyncset.done $0x0  }
.LBB2_4:
0x54: {  	s29 =	sshra.s32 s26, $0x2  }
0x55: {  	[sflag:s19] =	ssyncadd.s32 $0xFFFFC000;
	s26 =	smov.u32 s28;
	s30 =	sadd.s32 $0x200, s28  }
0x56: {  	[tilespmem:s22], [sflag:$0x1] =	stream.indirect.gather [hbm4b:s4+s21], $0x80, s29, s21, $0xb8;
	[tilespmem:$0x1F000] =	vst v63  }
0x57: {  	p0 =	sne.s32 s28, $0x9C00;
	_ =	swait.ge [sflag:s23], $0x4000  }
.Ltmp1:
0x58: {  	[sflag:s23] =	ssyncset.done $0x0;
	(pc) =	sbr.rel @p0 .LBB2_4-.Ltmp1, $4  }
0x59: {  	s28 =	sadd.s32 $0x2800, s29;
	[sflag:s23] =	ssyncadd.s32 $0xFFFFC000  }
0x5a: {  	[spmem:s2] =	stream.indirect.scatter.add.f32 [tilespmem:s22], [sflag:$0x2], $0x80, s28, s21, $0xb8;
	[tilespmem:$0x1F000] =	vst v63  }
0x5b: {  	_ =	swait.ge [sflag:s19], $0x4000  }
0x5c: {  	s28 =	smov.u32 s30;
	[sflag:s19] =	ssyncset.done $0x0  }
0x5d: {  	s26 =	sshra.s32 s26, $0x2;
	[sflag:s19] =	ssyncadd.s32 $0xFFFFC000  }
0x5e: {  	[tilespmem:s22], [sflag:$0x1] =	stream.indirect.gather [hbm4b:s4+s21], $0x80, s26, s21, $0xb8;
	[tilespmem:$0x1F000] =	vst v63  }
0x5f: {  	_ =	swait.ge [sflag:s23], $0x4000  }
0x60: {  	[sflag:s23] =	ssyncset.done $0x0  }
0x61: {  	s26 =	sadd.s32 $0x2800, s26;
	[sflag:s23] =	ssyncadd.s32 $0xFFFFC000  }
0x62: {  	[spmem:s2] =	stream.indirect.scatter.add.f32 [tilespmem:s22], [sflag:$0x2], $0x80, s26, s21, $0xb8;
	[tilespmem:$0x1F000] =	vst v63  }
0x63: {  	_ =	swait.ge [sflag:s19], $0x4000  }
0x64: {  	s31 =	sshll.u32 s0, $0x6;
	s25 =	sadd.s32 $0x1, s25;
	[sflag:s19] =	ssyncset.done $0x0  }
0x65: {  	s28 =	sshrl.u32 s5, $0x3;
	p0 =	sne.s32 s25, s8;
	[sflag:s19] =	ssyncadd.s32 $0xFFFFC000  }
.Ltmp2:
0x66: {  	s26 =	sor.u32 $0x1C02, s31;
	[bflag:$0x0] =	sbarrier.arrive $0xFFFF;
	(pc) =	sbr.rel @p0 .LBB2_1-.Ltmp2, $4  }
0x67: {  	[hbm:s24], [sflag:s26] =	dma.local [spmem:s28], $0x2800  }
0x68: {  	_ =	swait.ge [sflag:s19], $0x2800  }
0x69: {  	[sflag:s19] =	ssyncset.done $0x0  }
0x6a: {  	[sflag:s19] =	ssyncadd.s32 $0xFFFFD800  }
0x6b: {  	_ =	sfence.sel $0x180000  }
0x6c: {  	[bflag:$0x0] =	sbarrier.arrive $0xFFFF  }
0x6d: {  	p0 =	sne.s32 s0, $0x0;
	_ =	strace $0x9000004A  }
0x6e: {  	s0 =	sadd.s32 @!p0 $0x100000, s1;
	[bflag:$0x2] =	sbarrier.arrive $0xFFFF  }
0x6f: {  	[sflag:s0] =	ssyncadd.tile.s32 @!p0 $0x1;
	_ =	shalt  }
.Lfunc_end2:
_tile_overlayer_lowered:
.L_overlay_start_2:
0x70: {  	(tag) =	ssettag $0x2  }
0x71: {  	s0 =	rddreg [dreg:$0x0];
	s2 =	stileid.u32  }
0x72: {  	s1 =	rddreg [dreg:$0x1];
	p0 =	sne.s32 s2, $0x0  }
0x73: {  	s3 =	rddreg [dreg:$0x2];
	[bflag:$0x3] =	sbarrier.arrive $0xFFFF;
	s2 =	simm.s32 @!p0 $0x1C02  }
0x74: {  	[timem:s3], [sflag:s2] =	dma.local @!p0 [hbm:s0], s1  }
0x75: {  	s0 =	simm.s32 @!p0 $0x2  }
0x76: {  	_ =	swait.ge @!p0 [sflag:s0], s1  }
0x77: {  	s1 =	ssub.s32 @!p0 $0x0, s1;
	[sflag:s0] =	ssyncset.done @!p0 $0x0  }
0x78: {  	[sflag:s0] =	ssyncadd.s32 @!p0 s1  }
0x79: {  	[bflag:$0x3] =	sbarrier.arrive $0xFFFF  }
0x7a: {  	_ =	shalt  }

// kernel: kernel.14.cloned.1.call-start
scs
__scs_entry_jumppad:
0x0: {  	(pc) =	sbr.rel $0x88, $3  }
0x1: {  	(tag) =	ssettag $0x0;
	lr =	simm.s32 $0x1  }
0x2: {  	[smem:$0x3F9B] =	sst lr;
	_ =	strace $0xD0000000  }
0x3: {  	_ = 	snop  }
0x4: {  	_ = 	snop  }
0x5: {  	_ = 	snop  }
0x6: {  	_ = 	snop  }
0x7: {  	_ = 	snop  }
__scs_overlays_trampoline_lowered:
0x8: {  	[smem:$0x3FAA] =	sst s0  }
0x9: {  	[smem:$0x3FAB] =	sst s1  }
0xa: {  	[smem:$0x3FAC] =	sst s2  }
0xb: {  	[smem:$0x3FAD] =	sst s3  }
0xc: {  	[smem:$0x3FAE] =	sst s4  }
0xd: {  	[smem:$0x3FAF] =	sst s5  }
0xe: {  	[smem:$0x3FB0] =	sst s6  }
0xf: {  	[smem:$0x3FB1] =	sst s7  }
0x10: {  	[smem:$0x3FB2] =	sst s8  }
0x11: {  	[smem:$0x3FB3] =	sst s9;
	s0 =	simm.s32 @!p0 $0x0  }
0x12: {  	s1 =	sld [smem:$0x3F99];
	s0 =	simm.s32 @p0 $0x1  }
0x13: {  	[smem:$0x3FB4] =	sst s0;
	s0 =	simm.s32 @!p1 $0x0  }
0x14: {  	s2 =	sld [smem:$0x3F98];
	s0 =	simm.s32 @p1 $0x1  }
0x15: {  	[smem:$0x3FB5] =	sst s0;
	s0 =	simm.s32 @!p2 $0x0  }
0x16: {  	s3 =	sld [smem:$0x3FDB];
	s0 =	simm.s32 @p2 $0x1  }
0x17: {  	s4 =	simm.s32 $0x1BF5;
	[smem:$0x3FB7] =	sst s0  }
0x18: {  	s0 =	sld [smem:$0x3F9A];
	_ =	swait.ge [sflag:s4], $0x0  }
0x19: {  	s7 =	sld [smem:$0x3F9B]  }
0x1a: {  	s8 =	sadd.s32 $0xFFFFE003, lr  }
0x1b: {  	s9 =	sadd.s32 $0xFFFFFEF7, lr;
	s5 =	simm.s32 $0xFFFFFFFF;
	p2 =	slt.u32 s8, $0xFFFFF086  }
0x1c: {  	p1 =	slt.u32 s9, $0xF7A;
	s5 =	simm.s32 @!p2 $0x0  }
0x1d: {  	s5 =	simm.s32 @p1 $0x1;
	p0 =	seq.s32 s7, s2  }
0x1e: {  	s7 =	smul.u32 @!p0 $0xF7A, s2;
	p2 =	seq.s32 @!p0 s5, $0x0  }
0x1f: {  	s9 =	smul.u32 $0xF7A, s1;
	s8 =	simm.s32 @!p0 $0x1BF5;
	p2 =	por !p2, p0  }
0x20: {  	[sflag:s8] =	ssyncset.s32 @!p0 $0xFFFFF086;
	s6 =	sadd.s32 @!p0 s3, s7;
	s7 =	simm.s32 @!p0 $0x108  }
0x21: {  	s3 =	sadd.s32 s3, s9;
	s6 =	sadd.s32 @!p0 $0x88, s6;
	s7 =	simm.s32 @p2 $0x1082  }
0x22: {  	[simem:s7], [sflag:s8] =	dma.local @!p0 [hbm:s6], $0xF7A  }
0x23: {  	s9 =	sor.u32 $0xD0000000, s2;
	s6 =	simm.s32 $0x108;
	_ =	swait.ge @!p0 [sflag:s8], $0x0  }
0x24: {  	s3 =	sadd.s32 $0x88, s3;
	s6 =	simm.s32 @!p1 $0x1082;
	[sflag:s4] =	ssyncset.s32 $0xFFFFF086  }
0x25: {  	[simem:s6], [sflag:s4] =	dma.local [hbm:s3], $0xF7A  }
0x26: {  	[smem:$0x3F9B] =	sst s1;
	(tag) =	ssettag s2;
	_ =	strace s9  }
0x27: {  	s1 =	sld [smem:$0x3FAB]  }
0x28: {  	s2 =	sld [smem:$0x3FAC]  }
0x29: {  	s4 =	sld [smem:$0x3FAE]  }
0x2a: {  	p0 =	seq.s32 s5, $0x0;
	s5 =	sld [smem:$0x3FAF]  }
0x2b: {  	s6 =	sld [smem:$0x3FB0]  }
0x2c: {  	s7 =	sld [smem:$0x3FB1]  }
0x2d: {  	s3 =	simm.s32 $0x108;
	s8 =	sld [smem:$0x3FB2]  }
0x2e: {  	s3 =	simm.s32 @!p0 $0x1082;
	s9 =	sld [smem:$0x3FB3]  }
0x2f: {  	lr =	sadd.s32 s0, s3;
	s0 =	sld [smem:$0x3FAA]  }
0x30: {  	s3 =	sld [smem:$0x3FAD]  }
0x31: {  	[smem:$0x3FB6] =	sst s10  }
0x32: {  	s10 =	sld [smem:$0x3FB4];
	_ =	sdelay $0x3  }
0x33: {  	p0 =	seq.s32 s10, $0x1;
	s10 =	sld [smem:$0x3FB6];
	_ =	sdelay $0x3  }
0x34: {  	[smem:$0x3FB6] =	sst s10  }
0x35: {  	s10 =	sld [smem:$0x3FB5];
	_ =	sdelay $0x3  }
0x36: {  	p1 =	seq.s32 s10, $0x1;
	s10 =	sld [smem:$0x3FB6];
	_ =	sdelay $0x3  }
0x37: {  	[smem:$0x3FB6] =	sst s10  }
0x38: {  	s10 =	sld [smem:$0x3FB7]  }
0x39: {  	_ = 	snop;
	(pc) =	sbr.ind lr, $3  }
0x3a: {  	_ = 	snop  }
0x3b: {  	_ = 	snop  }
0x3c: {  	p2 =	seq.s32 s10, $0x1;
	s10 =	sld [smem:$0x3FB6]  }
0x3d: {  	_ =	shalt  }
0x3e: {  	_ =	shalt  }
0x3f: {  	_ =	shalt  }
0x40: {  	_ =	shalt  }
0x41: {  	_ =	shalt  }
0x42: {  	_ =	shalt  }
0x43: {  	_ =	shalt  }
0x44: {  	_ =	shalt  }
0x45: {  	_ =	shalt  }
0x46: {  	_ =	shalt  }
0x47: {  	_ =	shalt  }
0x48: {  	_ =	shalt  }
0x49: {  	_ =	shalt  }
0x4a: {  	_ =	shalt  }
0x4b: {  	_ =	shalt  }
0x4c: {  	_ =	shalt  }
0x4d: {  	_ =	shalt  }
0x4e: {  	_ =	shalt  }
0x4f: {  	_ =	shalt  }
0x50: {  	_ =	shalt  }
0x51: {  	_ =	shalt  }
0x52: {  	_ =	shalt  }
0x53: {  	_ =	shalt  }
0x54: {  	_ =	shalt  }
0x55: {  	_ =	shalt  }
0x56: {  	_ =	shalt  }
0x57: {  	_ =	shalt  }
0x58: {  	_ =	shalt  }
0x59: {  	_ =	shalt  }
0x5a: {  	_ =	shalt  }
0x5b: {  	_ =	shalt  }
0x5c: {  	_ =	shalt  }
0x5d: {  	_ =	shalt  }
0x5e: {  	_ =	shalt  }
0x5f: {  	_ =	shalt  }
0x60: {  	_ =	shalt  }
0x61: {  	_ =	shalt  }
0x62: {  	_ =	shalt  }
0x63: {  	_ =	shalt  }
0x64: {  	_ =	shalt  }
0x65: {  	_ =	shalt  }
0x66: {  	_ =	shalt  }
0x67: {  	_ =	shalt  }
0x68: {  	_ =	shalt  }
0x69: {  	_ =	shalt  }
0x6a: {  	_ =	shalt  }
0x6b: {  	_ =	shalt  }
0x6c: {  	_ =	shalt  }
0x6d: {  	_ =	shalt  }
0x6e: {  	_ =	shalt  }
0x6f: {  	_ =	shalt  }
0x70: {  	_ =	shalt  }
0x71: {  	_ =	shalt  }
0x72: {  	_ =	shalt  }
0x73: {  	_ =	shalt  }
0x74: {  	_ =	shalt  }
0x75: {  	_ =	shalt  }
0x76: {  	_ =	shalt  }
0x77: {  	_ =	shalt  }
0x78: {  	_ =	shalt  }
0x79: {  	_ =	shalt  }
0x7a: {  	_ =	shalt  }
0x7b: {  	_ =	shalt  }
0x7c: {  	_ =	shalt  }
0x7d: {  	_ =	shalt  }
0x7e: {  	_ =	shalt  }
0x7f: {  	_ =	shalt  }
0x80: {  	_ =	shalt  }
0x81: {  	_ =	shalt  }
0x82: {  	_ =	shalt  }
0x83: {  	_ =	shalt  }
0x84: {  	_ =	shalt  }
0x85: {  	_ =	shalt  }
0x86: {  	_ =	shalt  }
0x87: {  	_ =	shalt  }
.Lfunc_end0:
.L_simem_size_0:
called_computation.2_lowered:
.L_overlay_start_0:
0x88: {  	s2 =	sld [smem:$0x3FD9]  }
0x89: {  	s3 =	sld [smem:$0x3FFE];
	_ =	sdelay $0x1  }
0x8a: {  	s1 =	srdreg.scid  }
0x8b: {  	s0 =	sand.u32 $0x1, s1  }
0x8c: {  	s17 =	sshll.u32 s0, $0xA;
	s2 =	sadd.s32 s3, s2  }
0x8d: {  	s2 =	sadd.s32 s2, s17  }
0x8e: {  	[smem:$0x3FC2] =	sst s2  }
0x8f: {  	_ = 	snop  }
0x90: {  	s2 =	sld [smem:$0x3FD0];
	(tm) =	ssettm $0x1  }
0x91: {  	s18 =	sld [smem:$0x3FFB];
	_ =	sdelay $0x3  }
0x92: {  	_ =	strace s18  }
0x93: {  	s3 =	sld [smem:$0x3FFC];
	_ =	sdelay $0x3  }
0x94: {  	_ =	strace s3  }
0x95: {  	s3 =	sld [smem:$0x3FFD];
	_ =	sdelay $0x3  }
0x96: {  	_ =	strace s3  }
0x97: {  	_ =	strace $0x8FFFFFFF  }
0x98: {  	s19 =	sld [smem:$0x3FDB];
	_ =	sdelay $0x1  }
0x99: {  	s4 =	simm.s32 $_scs_section_size  }
0x9a: {  	s5 =	simm.s32 $_size__tile_overlayer_lowered;
	s6 =	simm.s32 $_tile_overlayer_lowered  }
0x9b: {  	s22 =	simm.s32 $0x1BFF;
	s21 =	sshll.u32 s6, $0x1;
	s3 =	sadd.s32 s4, s19  }
0x9c: {  	s7 =	simm.s32 $0x0;
	s20 =	sshll.u32 s5, $0x1;
	s5 =	sadd.s32 s21, s3  }
0x9d: {  	[timem:s7], [sflag:s22] =	dma.local [hbm:s5], s20  }
0x9e: {  	_ =	swait.ge [sflag:s22], s20  }
0x9f: {  	s4 =	ssub.s32 $0x0, s20;
	[sflag:s22] =	ssyncset.done $0x0  }
0xa0: {  	[sflag:s22] =	ssyncadd.s32 s4;
	_ =	sdelay $0x1  }
0xa1: {  	s23 =	simm.s32 $0x1B8B  }
0xa2: {  	_ =	swait.ge [sflag:s23], $0x1  }
0xa3: {  	[sflag:s23] =	ssyncset.done $0x0  }
0xa4: {  	s25 =	simm.s32 $0x1B8E;
	s24 =	sld [smem:$0x3FFE];
	[sflag:s23] =	ssyncadd.s32 $0xFFFFFFFF  }
0xa5: {  	s26 =	simm.s32 $execute0_lowered;
	[smem:$0x3FD2] =	sst s25  }
0xa6: {  	s5 =	sshll.u32 s26, $0x1;
	_ =	strace $0x8000004C;
	[dreg:$0x1] =	wrdreg $0xFFFFFFFF  }
0xa7: {  	s28 =	simm.s32 $_size_execute0_lowered;
	s3 =	sadd.s32 s3, s5;
	[dreg:$0x0] =	wrdreg $0x0  }
0xa8: {  	s5 =	sshll.u32 s28, $0x1;
	[dreg:$0x2] =	wrdreg s3  }
0xa9: {  	[dreg:$0x3] =	wrdreg s5  }
0xaa: {  	[dreg:$0x4] =	wrdreg $0xC0  }
0xab: {  	_ =	task [dreg:s7], $0x5FFFF  }
0xac: {  	[dreg:$0x1] =	wrdreg $0xFFFFFFFF  }
0xad: {  	[dreg:$0x0] =	wrdreg $0x60  }
0xae: {  	[dreg:$0x2] =	wrdreg s24  }
0xaf: {  	[dreg:$0x3] =	wrdreg s2  }
0xb0: {  	[dreg:$0x4] =	wrdreg $0xB0000  }
0xb1: {  	[dreg:$0x5] =	wrdreg $0x9  }
0xb2: {  	_ =	task.clear_ibuf [dreg:s7], $0x6FFFF;
	_ =	strace $0x9000004C  }
0xb3: {  	s29 =	simm.s32 $0x9;
	_ =	strace $0x8000004E  }
0xb4: {  	_ =	swait.ge [sflag:s29], $0x1  }
0xb5: {  	[sflag:s29] =	ssyncadd.s32 $0xFFFFFFFF  }
0xb6: {  	_ =	strace $0x9000004E  }
0xb7: {  	_ =	sfence  }
0xb8: {  	s30 =	sld [smem:$0x0];
	_ =	sdelay $0x2  }
0xb9: {  	s31 =	sshll.u32 s1, $0xD;
	s1 =	sshrl.u32 s1, $0x2  }
0xba: {  	s3 =	sand.u32 $0x4000, s31;
	s1 =	sadd.s32 s1, s30  }
0xbb: {  	s0 =	sor.u32 s3, s0;
	s1 =	sshll.u32 s1, $0x11  }
0xbc: {  	s0 =	sor.u32 s1, s0  }
0xbd: {  	s0 =	sadd.s32 $0x8F2B, s0  }
0xbe: {  	[sflag:s0] =	ssyncadd.remote.s32 $0x1  }
0xbf: {  	_ =	sfence.sel $0xFFFF  }
0xc0: {  	[dreg:$0x0] =	wrdreg $0xFFFFFFFF;
	(pc) =	sbr.abs _section_cstart, $3  }
0xc1: {  	[dreg:$0x1] =	wrdreg $0xFFFFFFFF  }
0xc2: {  	_ =	task.clear_ibuf [dreg:s7], $0x2FFFF;
	_ =	strace $0x9FFFFFFF  }
0xc3: {  	(tm) =	ssettm $0x7FFFFFFF  }
tec
execute0_lowered:
.L_overlay_start_1:
0x0: {  	(tag) =	ssettag $0x1  }
0x1: {  	s5 =	rddreg [dreg:$0x0]  }
0x2: {  	s1 =	srdreg.scid;
	s7 =	rddreg [dreg:$0x1]  }
0x3: {  	s0 =	stileid.u32;
	s2 =	rddreg [dreg:$0x2];
	s3 =	simm.s32 $0x0  }
0x4: {  	s18 =	simm.s32 $0x9000;
	s19 =	simm.s32 $0x2;
	s20 =	simm.s32 $0x2800  }
0x5: {  	s21 =	simm.s32 $0x80;
	s22 =	simm.s32 $0x5000;
	s23 =	simm.s32 $0x1  }
0x6: {  	s6 =	sand.u32 $0x1, s1;
	s1 =	rddreg [dreg:$0x3];
	s10 =	smul.u32 $0x50000, s0  }
0x7: {  	s30 =	sshll.u32 s0, $0x1;
	[smem:$0x7FF] =	sst s3;
	s25 =	smul.u32 $0x2800, s0  }
0x8: {  	s4 =	sor.u32 s6, s30;
	s9 =	smul.u32 $0x28000, s6;
	_ =	strace $0x8000004D  }
0x9: {  	s6 =	ssub.s32 $0x2, s6;
	s8 =	smul.u32 $0x500, s4;
	s4 =	sadd.s32 $0xD400, s5  }
0xa: {  	s31 =	sshrl.u32 s6, $0x1;
	s10 =	sshrl.u32 s10, $0x2;
	s9 =	sadd.s32 s9, s5  }
0xb: {  	s12 =	ssub.s32 s6, s31;
	s11 =	sadd.s32 s8, s5;
	s5 =	sadd.s32 s10, s2  }
0xc: {  	s7 =	sadd.s32 s7, s8;
	s24 =	sadd.s32 $0x34600, s9;
	s8 =	smax.u32 s12, $0x1  }
0xd: {  	s6 =	sadd.s32 $0x3400, s11;
	s9 =	sadd.s32 $0x2000, s5;
	s10 =	sadd.s32 $0x4000, s5  }
0xe: {  	s11 =	sadd.s32 $0x6000, s5;
	s12 =	sadd.s32 $0x8000, s5;
	s13 =	sadd.s32 $0xA000, s5  }
0xf: {  	s14 =	sadd.s32 $0xC000, s5;
	s15 =	sadd.s32 $0xE000, s5;
	s16 =	sadd.s32 $0x10000, s5  }
0x10: {  	v0 =	vimm.f32 $0.0e+00;
	s17 =	sadd.s32 $0x12000, s5;
	s24 =	sadd.s32 s25, s24;
	s25 =	simm.s32 $0x0  }
.LBB2_1:
0x11: {  	s26 =	sand.u32 $0x7E00, s3  }
0x12: {  	s28 =	sand.u32 $0x70, s3;
	s29 =	sshrl.u32 s26, $0x2  }
0x13: {  	s26 =	simm.s32 $0x40;
	s29 =	sor.u32 s28, s29;
	s28 =	simm.s32 $0x0  }
.LBB2_2:
0x14: {  	p0 =	sne.s32 s26, $0x7FC0  }
0x15: {  	[tilespmem:s29+$0x9000] =	vst v0;
	s28 =	sadd.s32 $0x10, s28;
	s29 =	smov.u32 s26;
	s26 =	sadd.s32 $0x40, s26  }
.Ltmp0:
0x16: {  	(pc) =	sbr.rel @p0 .LBB2_2-.Ltmp0, $4  }
0x17: {  	_ = 	snop  }
0x18: {  	s29 =	sand.u32 $0x7E00, s29  }
0x19: {  	s30 =	sand.u32 $0x70, s28;
	s29 =	sshrl.u32 s29, $0x2  }
0x1a: {  	s29 =	sor.u32 s30, s29  }
0x1b: {  	[tilespmem:s29+$0x9000] =	vst v0  }
0x1c: {  	[spmem:s5] =	stream.linear.scatter [tilespmem:s18], [sflag:$0x2], $0x2000, $0x38;
	[tilespmem:$0x1F000] =	vst v63  }
0x1d: {  	_ =	swait.ge [sflag:s19], $0x2000  }
0x1e: {  	[sflag:s19] =	ssyncset.done $0x0  }
0x1f: {  	[sflag:s19] =	ssyncadd.s32 $0xFFFFE000  }
0x20: {  	[spmem:s9] =	stream.linear.scatter [tilespmem:s18], [sflag:$0x2], $0x2000, $0x38;
	[tilespmem:$0x1F000] =	vst v63  }
0x21: {  	_ =	swait.ge [sflag:s19], $0x2000  }
0x22: {  	[sflag:s19] =	ssyncset.done $0x0  }
0x23: {  	[sflag:s19] =	ssyncadd.s32 $0xFFFFE000  }
0x24: {  	[spmem:s10] =	stream.linear.scatter [tilespmem:s18], [sflag:$0x2], $0x2000, $0x38;
	[tilespmem:$0x1F000] =	vst v63  }
0x25: {  	_ =	swait.ge [sflag:s19], $0x2000  }
0x26: {  	[sflag:s19] =	ssyncset.done $0x0  }
0x27: {  	[sflag:s19] =	ssyncadd.s32 $0xFFFFE000  }
0x28: {  	[spmem:s11] =	stream.linear.scatter [tilespmem:s18], [sflag:$0x2], $0x2000, $0x38;
	[tilespmem:$0x1F000] =	vst v63  }
0x29: {  	_ =	swait.ge [sflag:s19], $0x2000  }
0x2a: {  	[sflag:s19] =	ssyncset.done $0x0  }
0x2b: {  	[sflag:s19] =	ssyncadd.s32 $0xFFFFE000  }
0x2c: {  	[spmem:s12] =	stream.linear.scatter [tilespmem:s18], [sflag:$0x2], $0x2000, $0x38;
	[tilespmem:$0x1F000] =	vst v63  }
0x2d: {  	_ =	swait.ge [sflag:s19], $0x2000  }
0x2e: {  	[sflag:s19] =	ssyncset.done $0x0  }
0x2f: {  	[sflag:s19] =	ssyncadd.s32 $0xFFFFE000  }
0x30: {  	[spmem:s13] =	stream.linear.scatter [tilespmem:s18], [sflag:$0x2], $0x2000, $0x38;
	[tilespmem:$0x1F000] =	vst v63  }
0x31: {  	_ =	swait.ge [sflag:s19], $0x2000  }
0x32: {  	[sflag:s19] =	ssyncset.done $0x0  }
0x33: {  	[sflag:s19] =	ssyncadd.s32 $0xFFFFE000  }
0x34: {  	[spmem:s14] =	stream.linear.scatter [tilespmem:s18], [sflag:$0x2], $0x2000, $0x38;
	[tilespmem:$0x1F000] =	vst v63  }
0x35: {  	_ =	swait.ge [sflag:s19], $0x2000  }
0x36: {  	[sflag:s19] =	ssyncset.done $0x0  }
0x37: {  	[sflag:s19] =	ssyncadd.s32 $0xFFFFE000  }
0x38: {  	[spmem:s15] =	stream.linear.scatter [tilespmem:s18], [sflag:$0x2], $0x2000, $0x38;
	[tilespmem:$0x1F000] =	vst v63  }
0x39: {  	_ =	swait.ge [sflag:s19], $0x2000  }
0x3a: {  	[sflag:s19] =	ssyncset.done $0x0  }
0x3b: {  	[sflag:s19] =	ssyncadd.s32 $0xFFFFE000  }
0x3c: {  	[spmem:s16] =	stream.linear.scatter [tilespmem:s18], [sflag:$0x2], $0x2000, $0x38;
	[tilespmem:$0x1F000] =	vst v63  }
0x3d: {  	_ =	swait.ge [sflag:s19], $0x2000  }
0x3e: {  	[sflag:s19] =	ssyncset.done $0x0  }
0x3f: {  	[sflag:s19] =	ssyncadd.s32 $0xFFFFE000  }
0x40: {  	[spmem:s17] =	stream.linear.scatter [tilespmem:s18], [sflag:$0x2], $0x2000, $0x38;
	[tilespmem:$0x1F000] =	vst v63  }
0x41: {  	_ =	swait.ge [sflag:s19], $0x2000  }
0x42: {  	[sflag:s19] =	ssyncset.done $0x0  }
0x43: {  	[sflag:s19] =	ssyncadd.s32 $0xFFFFE000  }
0x44: {  	s26 =	simm.s32 $0x0;
	[bflag:$0x0] =	sbarrier.arrive $0xFFFF  }
0x45: {  	[tilespmem:s26], [sflag:$0x2] =	stream.linear.gather [hbm4b:s6+s26], $0x2780, $0x38;
	[tilespmem:$0x1F000] =	vst v63  }
0x46: {  	_ =	swait.ge [sflag:s19], $0x2780  }
0x47: {  	[sflag:s19] =	ssyncset.done $0x0  }
0x48: {  	[sflag:s19] =	ssyncadd.s32 $0xFFFFD880  }
0x49: {  	[tilespmem:s20], [sflag:$0x2] =	stream.linear.gather [hbm4b:s7+s26], $0x2780, $0x38;
	[tilespmem:$0x1F000] =	vst v63  }
0x4a: {  	_ =	swait.ge [sflag:s19], $0x2780  }
0x4b: {  	[sflag:s19] =	ssyncset.done $0x0  }
0x4c: {  	s30 =	simm.s32 $0x0;
	[sflag:s19] =	ssyncadd.s32 $0xFFFFD880  }
0x4d: {  	[tilespmem:s22], [sflag:$0x1] =	stream.indirect.gather [hbm4b:s4+s21], $0x80, s30, s21, $0xb8;
	[tilespmem:$0x1F000] =	vst v63  }
0x4e: {  	_ =	swait.ge [sflag:s23], $0x4000  }
0x4f: {  	[sflag:s23] =	ssyncset.done $0x0  }
0x50: {  	s31 =	simm.s32 $0x2800;
	[sflag:s23] =	ssyncadd.s32 $0xFFFFC000  }
0x51: {  	[spmem:s2] =	stream.indirect.scatter.add.f32 [tilespmem:s22], [sflag:$0x2], $0x80, s31, s21, $0xb8;
	[tilespmem:$0x1F000] =	vst v63  }
0x52: {  	_ =	swait.ge [sflag:s19], $0x4000  }
0x53: {  	s28 =	simm.s32 $0x400;
	s26 =	simm.s32 $0x200;
	[sflag:s19] =	ssyncset.done $0x0  }
.LBB2_4:
0x54: {  	s29 =	sshra.s32 s26, $0x2  }
0x55: {  	[sflag:s19] =	ssyncadd.s32 $0xFFFFC000;
	s26 =	smov.u32 s28;
	s30 =	sadd.s32 $0x200, s28  }
0x56: {  	[tilespmem:s22], [sflag:$0x1] =	stream.indirect.gather [hbm4b:s4+s21], $0x80, s29, s21, $0xb8;
	[tilespmem:$0x1F000] =	vst v63  }
0x57: {  	p0 =	sne.s32 s28, $0x9C00;
	_ =	swait.ge [sflag:s23], $0x4000  }
.Ltmp1:
0x58: {  	[sflag:s23] =	ssyncset.done $0x0;
	(pc) =	sbr.rel @p0 .LBB2_4-.Ltmp1, $4  }
0x59: {  	s28 =	sadd.s32 $0x2800, s29;
	[sflag:s23] =	ssyncadd.s32 $0xFFFFC000  }
0x5a: {  	[spmem:s2] =	stream.indirect.scatter.add.f32 [tilespmem:s22], [sflag:$0x2], $0x80, s28, s21, $0xb8;
	[tilespmem:$0x1F000] =	vst v63  }
0x5b: {  	_ =	swait.ge [sflag:s19], $0x4000  }
0x5c: {  	s28 =	smov.u32 s30;
	[sflag:s19] =	ssyncset.done $0x0  }
0x5d: {  	s26 =	sshra.s32 s26, $0x2;
	[sflag:s19] =	ssyncadd.s32 $0xFFFFC000  }
0x5e: {  	[tilespmem:s22], [sflag:$0x1] =	stream.indirect.gather [hbm4b:s4+s21], $0x80, s26, s21, $0xb8;
	[tilespmem:$0x1F000] =	vst v63  }
0x5f: {  	_ =	swait.ge [sflag:s23], $0x4000  }
0x60: {  	[sflag:s23] =	ssyncset.done $0x0  }
0x61: {  	s26 =	sadd.s32 $0x2800, s26;
	[sflag:s23] =	ssyncadd.s32 $0xFFFFC000  }
0x62: {  	[spmem:s2] =	stream.indirect.scatter.add.f32 [tilespmem:s22], [sflag:$0x2], $0x80, s26, s21, $0xb8;
	[tilespmem:$0x1F000] =	vst v63  }
0x63: {  	_ =	swait.ge [sflag:s19], $0x4000  }
0x64: {  	s31 =	sshll.u32 s0, $0x6;
	s25 =	sadd.s32 $0x1, s25;
	[sflag:s19] =	ssyncset.done $0x0  }
0x65: {  	s28 =	sshrl.u32 s5, $0x3;
	p0 =	sne.s32 s25, s8;
	[sflag:s19] =	ssyncadd.s32 $0xFFFFC000  }
.Ltmp2:
0x66: {  	s26 =	sor.u32 $0x1C02, s31;
	[bflag:$0x0] =	sbarrier.arrive $0xFFFF;
	(pc) =	sbr.rel @p0 .LBB2_1-.Ltmp2, $4  }
0x67: {  	[hbm:s24], [sflag:s26] =	dma.local [spmem:s28], $0x2800  }
0x68: {  	_ =	swait.ge [sflag:s19], $0x2800  }
0x69: {  	[sflag:s19] =	ssyncset.done $0x0  }
0x6a: {  	[sflag:s19] =	ssyncadd.s32 $0xFFFFD800  }
0x6b: {  	_ =	sfence.sel $0x180000  }
0x6c: {  	[bflag:$0x0] =	sbarrier.arrive $0xFFFF  }
0x6d: {  	p0 =	sne.s32 s0, $0x0;
	_ =	strace $0x9000004D  }
0x6e: {  	s0 =	sadd.s32 @!p0 $0x100000, s1;
	[bflag:$0x2] =	sbarrier.arrive $0xFFFF  }
0x6f: {  	[sflag:s0] =	ssyncadd.tile.s32 @!p0 $0x1;
	_ =	shalt  }
.Lfunc_end2:
_tile_overlayer_lowered:
.L_overlay_start_2:
0x70: {  	(tag) =	ssettag $0x2  }
0x71: {  	s0 =	rddreg [dreg:$0x0];
	s2 =	stileid.u32  }
0x72: {  	s1 =	rddreg [dreg:$0x1];
	p0 =	sne.s32 s2, $0x0  }
0x73: {  	s3 =	rddreg [dreg:$0x2];
	[bflag:$0x3] =	sbarrier.arrive $0xFFFF;
	s2 =	simm.s32 @!p0 $0x1C02  }
0x74: {  	[timem:s3], [sflag:s2] =	dma.local @!p0 [hbm:s0], s1  }
0x75: {  	s0 =	simm.s32 @!p0 $0x2  }
0x76: {  	_ =	swait.ge @!p0 [sflag:s0], s1  }
0x77: {  	s1 =	ssub.s32 @!p0 $0x0, s1;
	[sflag:s0] =	ssyncset.done @!p0 $0x0  }
0x78: {  	[sflag:s0] =	ssyncadd.s32 @!p0 s1  }
0x79: {  	[bflag:$0x3] =	sbarrier.arrive $0xFFFF  }
0x7a: {  	_ =	shalt  }

// kernel: kernel.8.cloned.1.call-start
scs
__scs_entry_jumppad:
0x0: {  	(pc) =	sbr.rel $0x88, $3  }
0x1: {  	(tag) =	ssettag $0x0;
	lr =	simm.s32 $0x1  }
0x2: {  	[smem:$0x3F9B] =	sst lr;
	_ =	strace $0xD0000000  }
0x3: {  	_ = 	snop  }
0x4: {  	_ = 	snop  }
0x5: {  	_ = 	snop  }
0x6: {  	_ = 	snop  }
0x7: {  	_ = 	snop  }
__scs_overlays_trampoline_lowered:
0x8: {  	[smem:$0x3FAA] =	sst s0  }
0x9: {  	[smem:$0x3FAB] =	sst s1  }
0xa: {  	[smem:$0x3FAC] =	sst s2  }
0xb: {  	[smem:$0x3FAD] =	sst s3  }
0xc: {  	[smem:$0x3FAE] =	sst s4  }
0xd: {  	[smem:$0x3FAF] =	sst s5  }
0xe: {  	[smem:$0x3FB0] =	sst s6  }
0xf: {  	[smem:$0x3FB1] =	sst s7  }
0x10: {  	[smem:$0x3FB2] =	sst s8  }
0x11: {  	[smem:$0x3FB3] =	sst s9;
	s0 =	simm.s32 @!p0 $0x0  }
0x12: {  	s1 =	sld [smem:$0x3F99];
	s0 =	simm.s32 @p0 $0x1  }
0x13: {  	[smem:$0x3FB4] =	sst s0;
	s0 =	simm.s32 @!p1 $0x0  }
0x14: {  	s2 =	sld [smem:$0x3F98];
	s0 =	simm.s32 @p1 $0x1  }
0x15: {  	[smem:$0x3FB5] =	sst s0;
	s0 =	simm.s32 @!p2 $0x0  }
0x16: {  	s3 =	sld [smem:$0x3FDB];
	s0 =	simm.s32 @p2 $0x1  }
0x17: {  	s4 =	simm.s32 $0x1BF5;
	[smem:$0x3FB7] =	sst s0  }
0x18: {  	s0 =	sld [smem:$0x3F9A];
	_ =	swait.ge [sflag:s4], $0x0  }
0x19: {  	s7 =	sld [smem:$0x3F9B]  }
0x1a: {  	s8 =	sadd.s32 $0xFFFFE003, lr  }
0x1b: {  	s9 =	sadd.s32 $0xFFFFFEF7, lr;
	s5 =	simm.s32 $0xFFFFFFFF;
	p2 =	slt.u32 s8, $0xFFFFF086  }
0x1c: {  	p1 =	slt.u32 s9, $0xF7A;
	s5 =	simm.s32 @!p2 $0x0  }
0x1d: {  	s5 =	simm.s32 @p1 $0x1;
	p0 =	seq.s32 s7, s2  }
0x1e: {  	s7 =	smul.u32 @!p0 $0xF7A, s2;
	p2 =	seq.s32 @!p0 s5, $0x0  }
0x1f: {  	s9 =	smul.u32 $0xF7A, s1;
	s8 =	simm.s32 @!p0 $0x1BF5;
	p2 =	por !p2, p0  }
0x20: {  	[sflag:s8] =	ssyncset.s32 @!p0 $0xFFFFF086;
	s6 =	sadd.s32 @!p0 s3, s7;
	s7 =	simm.s32 @!p0 $0x108  }
0x21: {  	s3 =	sadd.s32 s3, s9;
	s6 =	sadd.s32 @!p0 $0x88, s6;
	s7 =	simm.s32 @p2 $0x1082  }
0x22: {  	[simem:s7], [sflag:s8] =	dma.local @!p0 [hbm:s6], $0xF7A  }
0x23: {  	s9 =	sor.u32 $0xD0000000, s2;
	s6 =	simm.s32 $0x108;
	_ =	swait.ge @!p0 [sflag:s8], $0x0  }
0x24: {  	s3 =	sadd.s32 $0x88, s3;
	s6 =	simm.s32 @!p1 $0x1082;
	[sflag:s4] =	ssyncset.s32 $0xFFFFF086  }
0x25: {  	[simem:s6], [sflag:s4] =	dma.local [hbm:s3], $0xF7A  }
0x26: {  	[smem:$0x3F9B] =	sst s1;
	(tag) =	ssettag s2;
	_ =	strace s9  }
0x27: {  	s1 =	sld [smem:$0x3FAB]  }
0x28: {  	s2 =	sld [smem:$0x3FAC]  }
0x29: {  	s4 =	sld [smem:$0x3FAE]  }
0x2a: {  	p0 =	seq.s32 s5, $0x0;
	s5 =	sld [smem:$0x3FAF]  }
0x2b: {  	s6 =	sld [smem:$0x3FB0]  }
0x2c: {  	s7 =	sld [smem:$0x3FB1]  }
0x2d: {  	s3 =	simm.s32 $0x108;
	s8 =	sld [smem:$0x3FB2]  }
0x2e: {  	s3 =	simm.s32 @!p0 $0x1082;
	s9 =	sld [smem:$0x3FB3]  }
0x2f: {  	lr =	sadd.s32 s0, s3;
	s0 =	sld [smem:$0x3FAA]  }
0x30: {  	s3 =	sld [smem:$0x3FAD]  }
0x31: {  	[smem:$0x3FB6] =	sst s10  }
0x32: {  	s10 =	sld [smem:$0x3FB4];
	_ =	sdelay $0x3  }
0x33: {  	p0 =	seq.s32 s10, $0x1;
	s10 =	sld [smem:$0x3FB6];
	_ =	sdelay $0x3  }
0x34: {  	[smem:$0x3FB6] =	sst s10  }
0x35: {  	s10 =	sld [smem:$0x3FB5];
	_ =	sdelay $0x3  }
0x36: {  	p1 =	seq.s32 s10, $0x1;
	s10 =	sld [smem:$0x3FB6];
	_ =	sdelay $0x3  }
0x37: {  	[smem:$0x3FB6] =	sst s10  }
0x38: {  	s10 =	sld [smem:$0x3FB7]  }
0x39: {  	_ = 	snop;
	(pc) =	sbr.ind lr, $3  }
0x3a: {  	_ = 	snop  }
0x3b: {  	_ = 	snop  }
0x3c: {  	p2 =	seq.s32 s10, $0x1;
	s10 =	sld [smem:$0x3FB6]  }
0x3d: {  	_ =	shalt  }
0x3e: {  	_ =	shalt  }
0x3f: {  	_ =	shalt  }
0x40: {  	_ =	shalt  }
0x41: {  	_ =	shalt  }
0x42: {  	_ =	shalt  }
0x43: {  	_ =	shalt  }
0x44: {  	_ =	shalt  }
0x45: {  	_ =	shalt  }
0x46: {  	_ =	shalt  }
0x47: {  	_ =	shalt  }
0x48: {  	_ =	shalt  }
0x49: {  	_ =	shalt  }
0x4a: {  	_ =	shalt  }
0x4b: {  	_ =	shalt  }
0x4c: {  	_ =	shalt  }
0x4d: {  	_ =	shalt  }
0x4e: {  	_ =	shalt  }
0x4f: {  	_ =	shalt  }
0x50: {  	_ =	shalt  }
0x51: {  	_ =	shalt  }
0x52: {  	_ =	shalt  }
0x53: {  	_ =	shalt  }
0x54: {  	_ =	shalt  }
0x55: {  	_ =	shalt  }
0x56: {  	_ =	shalt  }
0x57: {  	_ =	shalt  }
0x58: {  	_ =	shalt  }
0x59: {  	_ =	shalt  }
0x5a: {  	_ =	shalt  }
0x5b: {  	_ =	shalt  }
0x5c: {  	_ =	shalt  }
0x5d: {  	_ =	shalt  }
0x5e: {  	_ =	shalt  }
0x5f: {  	_ =	shalt  }
0x60: {  	_ =	shalt  }
0x61: {  	_ =	shalt  }
0x62: {  	_ =	shalt  }
0x63: {  	_ =	shalt  }
0x64: {  	_ =	shalt  }
0x65: {  	_ =	shalt  }
0x66: {  	_ =	shalt  }
0x67: {  	_ =	shalt  }
0x68: {  	_ =	shalt  }
0x69: {  	_ =	shalt  }
0x6a: {  	_ =	shalt  }
0x6b: {  	_ =	shalt  }
0x6c: {  	_ =	shalt  }
0x6d: {  	_ =	shalt  }
0x6e: {  	_ =	shalt  }
0x6f: {  	_ =	shalt  }
0x70: {  	_ =	shalt  }
0x71: {  	_ =	shalt  }
0x72: {  	_ =	shalt  }
0x73: {  	_ =	shalt  }
0x74: {  	_ =	shalt  }
0x75: {  	_ =	shalt  }
0x76: {  	_ =	shalt  }
0x77: {  	_ =	shalt  }
0x78: {  	_ =	shalt  }
0x79: {  	_ =	shalt  }
0x7a: {  	_ =	shalt  }
0x7b: {  	_ =	shalt  }
0x7c: {  	_ =	shalt  }
0x7d: {  	_ =	shalt  }
0x7e: {  	_ =	shalt  }
0x7f: {  	_ =	shalt  }
0x80: {  	_ =	shalt  }
0x81: {  	_ =	shalt  }
0x82: {  	_ =	shalt  }
0x83: {  	_ =	shalt  }
0x84: {  	_ =	shalt  }
0x85: {  	_ =	shalt  }
0x86: {  	_ =	shalt  }
0x87: {  	_ =	shalt  }
.Lfunc_end0:
.L_simem_size_0:
called_computation_lowered:
.L_overlay_start_0:
0x88: {  	s2 =	sld [smem:$0x3FD9]  }
0x89: {  	s3 =	sld [smem:$0x3FFE];
	_ =	sdelay $0x1  }
0x8a: {  	s1 =	srdreg.scid  }
0x8b: {  	s0 =	sand.u32 $0x1, s1  }
0x8c: {  	s17 =	sshll.u32 s0, $0xA;
	s2 =	sadd.s32 s3, s2  }
0x8d: {  	s2 =	sadd.s32 s2, s17  }
0x8e: {  	[smem:$0x3FC2] =	sst s2  }
0x8f: {  	_ = 	snop  }
0x90: {  	s2 =	sld [smem:$0x3FD0];
	(tm) =	ssettm $0x1  }
0x91: {  	s18 =	sld [smem:$0x3FFB];
	_ =	sdelay $0x3  }
0x92: {  	_ =	strace s18  }
0x93: {  	s3 =	sld [smem:$0x3FFC];
	_ =	sdelay $0x3  }
0x94: {  	_ =	strace s3  }
0x95: {  	s3 =	sld [smem:$0x3FFD];
	_ =	sdelay $0x3  }
0x96: {  	_ =	strace s3  }
0x97: {  	_ =	strace $0x8FFFFFFF  }
0x98: {  	s19 =	sld [smem:$0x3FDB];
	_ =	sdelay $0x1  }
0x99: {  	s4 =	simm.s32 $_scs_section_size  }
0x9a: {  	s5 =	simm.s32 $_size__tile_overlayer_lowered;
	s6 =	simm.s32 $_tile_overlayer_lowered  }
0x9b: {  	s22 =	simm.s32 $0x1BFF;
	s21 =	sshll.u32 s6, $0x1;
	s3 =	sadd.s32 s4, s19  }
0x9c: {  	s7 =	simm.s32 $0x0;
	s20 =	sshll.u32 s5, $0x1;
	s5 =	sadd.s32 s21, s3  }
0x9d: {  	[timem:s7], [sflag:s22] =	dma.local [hbm:s5], s20  }
0x9e: {  	_ =	swait.ge [sflag:s22], s20  }
0x9f: {  	s4 =	ssub.s32 $0x0, s20;
	[sflag:s22] =	ssyncset.done $0x0  }
0xa0: {  	[sflag:s22] =	ssyncadd.s32 s4;
	_ =	sdelay $0x1  }
0xa1: {  	s23 =	simm.s32 $0x1B8B  }
0xa2: {  	_ =	swait.ge [sflag:s23], $0x1  }
0xa3: {  	[sflag:s23] =	ssyncset.done $0x0  }
0xa4: {  	s25 =	simm.s32 $0x1B8E;
	s24 =	sld [smem:$0x3FFE];
	[sflag:s23] =	ssyncadd.s32 $0xFFFFFFFF  }
0xa5: {  	s26 =	simm.s32 $execute0_lowered;
	[smem:$0x3FD2] =	sst s25  }
0xa6: {  	s5 =	sshll.u32 s26, $0x1;
	_ =	strace $0x80000046;
	[dreg:$0x1] =	wrdreg $0xFFFFFFFF  }
0xa7: {  	s28 =	simm.s32 $_size_execute0_lowered;
	s3 =	sadd.s32 s3, s5;
	[dreg:$0x0] =	wrdreg $0x0  }
0xa8: {  	s5 =	sshll.u32 s28, $0x1;
	[dreg:$0x2] =	wrdreg s3  }
0xa9: {  	[dreg:$0x3] =	wrdreg s5  }
0xaa: {  	[dreg:$0x4] =	wrdreg $0xC0  }
0xab: {  	_ =	task [dreg:s7], $0x5FFFF  }
0xac: {  	[dreg:$0x1] =	wrdreg $0xFFFFFFFF  }
0xad: {  	[dreg:$0x0] =	wrdreg $0x60  }
0xae: {  	[dreg:$0x2] =	wrdreg s2  }
0xaf: {  	[dreg:$0x3] =	wrdreg s24  }
0xb0: {  	[dreg:$0x4] =	wrdreg $0x2B000  }
0xb1: {  	[dreg:$0x5] =	wrdreg $0x9  }
0xb2: {  	_ =	task.clear_ibuf [dreg:s7], $0x6FFFF;
	_ =	strace $0x90000046  }
0xb3: {  	s29 =	simm.s32 $0x9;
	_ =	strace $0x80000048  }
0xb4: {  	_ =	swait.ge [sflag:s29], $0x1  }
0xb5: {  	[sflag:s29] =	ssyncadd.s32 $0xFFFFFFFF  }
0xb6: {  	_ =	strace $0x90000048  }
0xb7: {  	_ =	sfence  }
0xb8: {  	s30 =	sld [smem:$0x0];
	_ =	sdelay $0x2  }
0xb9: {  	s31 =	sshll.u32 s1, $0xD;
	s1 =	sshrl.u32 s1, $0x2  }
0xba: {  	s3 =	sand.u32 $0x4000, s31;
	s1 =	sadd.s32 s1, s30  }
0xbb: {  	s0 =	sor.u32 s3, s0;
	s1 =	sshll.u32 s1, $0x11  }
0xbc: {  	s0 =	sor.u32 s1, s0  }
0xbd: {  	s0 =	sadd.s32 $0x8F2B, s0  }
0xbe: {  	[sflag:s0] =	ssyncadd.remote.s32 $0x1  }
0xbf: {  	_ =	sfence.sel $0xFFFF  }
0xc0: {  	[dreg:$0x0] =	wrdreg $0xFFFFFFFF;
	(pc) =	sbr.abs _section_cstart, $3  }
0xc1: {  	[dreg:$0x1] =	wrdreg $0xFFFFFFFF  }
0xc2: {  	_ =	task.clear_ibuf [dreg:s7], $0x2FFFF;
	_ =	strace $0x9FFFFFFF  }
0xc3: {  	(tm) =	ssettm $0x7FFFFFFF  }
tec
execute0_lowered:
.L_overlay_start_1:
0x0: {  	(tag) =	ssettag $0x1  }
0x1: {  	s5 =	rddreg [dreg:$0x0]  }
0x2: {  	s4 =	rddreg [dreg:$0x1]  }
0x3: {  	s1 =	rddreg [dreg:$0x2]  }
0x4: {  	s0 =	rddreg [dreg:$0x3];
	s3 =	simm.s32 $0x0;
	s6 =	srdreg.scid  }
0x5: {  	s2 =	stileid.u32;
	s14 =	simm.s32 $0x20;
	s15 =	simm.s32 $0x10  }
0x6: {  	s16 =	simm.s32 $0x0;
	[smem:$0x7FF] =	sst s3;
	s8 =	smul.u32 $0xA00, s2  }
0x7: {  	s6 =	sand.u32 $0x1, s6;
	s7 =	sshll.u32 s2, $0x1;
	s12 =	smul.u32 $0xA0, s2  }
0x8: {  	s13 =	sshll.u32 s2, $0x6;
	_ =	strace $0x80000047;
	s10 =	ssub.s32 $0x2, s6  }
0x9: {  	s9 =	sshll.u32 s6, $0x4;
	s6 =	sor.u32 s6, s7;
	s31 =	sshrl.u32 s10, $0x1  }
0xa: {  	s8 =	sshrl.u32 s8, $0x2;
	s6 =	smul.u32 $0x500, s6;
	s9 =	sadd.s32 s9, s4  }
0xb: {  	s7 =	ssub.s32 s10, s31;
	s4 =	sadd.s32 s8, s1;
	s11 =	sadd.s32 $0x2A00, s9  }
0xc: {  	s8 =	simm.s32 $0x1;
	s9 =	simm.s32 $0x80;
	s10 =	simm.s32 $0x2800  }
0xd: {  	s5 =	sadd.s32 s5, s6;
	s6 =	smax.u32 s7, $0x1;
	s7 =	simm.s32 $0x2880  }
0xe: {  	v0 =	vimm.f32 $1.000000000e+00;
	v1 =	vimm.f32 $0.0e+00;
	s11 =	sadd.s32 s12, s11;
	s12 =	sor.u32 $0x1C01, s13;
	s13 =	sshrl.u32 s4, $0x3  }
.LBB2_1:
0xf: {  	[tilespmem:$0x2800] =	vst v0  }
0x10: {  	[tilespmem:$0x2810] =	vst v0  }
0x11: {  	[tilespmem:$0x2820] =	vst v0  }
0x12: {  	[tilespmem:$0x2830] =	vst v0  }
0x13: {  	[tilespmem:$0x2840] =	vst v0  }
0x14: {  	[tilespmem:$0x2850] =	vst v0  }
0x15: {  	[tilespmem:$0x2860] =	vst v0  }
0x16: {  	[tilespmem:$0x2870] =	vst v0  }
0x17: {  	[tilespmem:$0x2880] =	vst v1  }
0x18: {  	[tilespmem:$0x2890] =	vst v1  }
0x19: {  	[tilespmem:$0x28A0] =	vst v1  }
0x1a: {  	[tilespmem:$0x28B0] =	vst v1  }
0x1b: {  	[tilespmem:$0x28C0] =	vst v1  }
0x1c: {  	[tilespmem:$0x28D0] =	vst v1  }
0x1d: {  	[tilespmem:$0x28E0] =	vst v1  }
0x1e: {  	[tilespmem:$0x28F0] =	vst v1  }
0x1f: {  	[tilespmem:$0x2900] =	vst v1  }
0x20: {  	[tilespmem:$0x2910] =	vst v1  }
0x21: {  	[tilespmem:$0x2920] =	vst v1  }
0x22: {  	[tilespmem:$0x2930] =	vst v1  }
0x23: {  	[tilespmem:$0x2940] =	vst v1  }
0x24: {  	[tilespmem:$0x2950] =	vst v1  }
0x25: {  	[tilespmem:$0x2960] =	vst v1  }
0x26: {  	[tilespmem:$0x2970] =	vst v1  }
0x27: {  	[tilespmem:$0x2980] =	vst v1  }
0x28: {  	[tilespmem:$0x2990] =	vst v1  }
0x29: {  	[tilespmem:$0x29A0] =	vst v1  }
0x2a: {  	[tilespmem:$0x29B0] =	vst v1  }
0x2b: {  	[tilespmem:$0x29C0] =	vst v1  }
0x2c: {  	[tilespmem:$0x29D0] =	vst v1  }
0x2d: {  	[tilespmem:$0x29E0] =	vst v1  }
0x2e: {  	[tilespmem:$0x29F0] =	vst v1  }
0x2f: {  	[tilespmem:$0x2A00] =	vst v1  }
0x30: {  	[tilespmem:$0x2A10] =	vst v1  }
0x31: {  	[tilespmem:$0x2A20] =	vst v1  }
0x32: {  	[tilespmem:$0x2A30] =	vst v1  }
0x33: {  	[tilespmem:$0x2A40] =	vst v1  }
0x34: {  	[tilespmem:$0x2A50] =	vst v1  }
0x35: {  	[tilespmem:$0x2A60] =	vst v1  }
0x36: {  	[tilespmem:$0x2A70] =	vst v1  }
0x37: {  	[tilespmem:$0x2A80] =	vst v1  }
0x38: {  	[tilespmem:$0x2A90] =	vst v1  }
0x39: {  	[tilespmem:$0x2AA0] =	vst v1  }
0x3a: {  	[tilespmem:$0x2AB0] =	vst v1  }
0x3b: {  	[tilespmem:$0x2AC0] =	vst v1  }
0x3c: {  	[tilespmem:$0x2AD0] =	vst v1  }
0x3d: {  	[tilespmem:$0x2AE0] =	vst v1  }
0x3e: {  	[tilespmem:$0x2AF0] =	vst v1  }
0x3f: {  	[spmem:s4] =	stream.linear.scatter [tilespmem:s7], [sflag:$0x1], $0x280, $0x38;
	[tilespmem:$0x2D80] =	vst v63  }
0x40: {  	_ =	swait.ge [sflag:s8], $0x280  }
0x41: {  	[sflag:s8] =	ssyncset.done $0x0  }
0x42: {  	[sflag:s8] =	ssyncadd.s32 $0xFFFFFD80  }
0x43: {  	[bflag:$0x0] =	sbarrier.arrive $0xFFFF  }
0x44: {  	[tilespmem:s3], [sflag:$0x1] =	stream.linear.gather [hbm4b:s5+s3], $0x2780, $0x38;
	[tilespmem:$0x2D80] =	vst v63  }
0x45: {  	_ =	swait.ge [sflag:s8], $0x2780  }
0x46: {  	[sflag:s8] =	ssyncset.done $0x0  }
0x47: {  	s17 =	simm.s32 $0x0;
	[sflag:s8] =	ssyncadd.s32 $0xFFFFD880  }
0x48: {  	[spmem:s1] =	stream.indirect.scatter.add.f32 [tilespmem:s10], [sflag:$0x1], $0x1, s17, s9, $0xb8;
	[tilespmem:$0x2D80] =	vst v63  }
0x49: {  	_ =	swait.ge [sflag:s8], $0x80  }
0x4a: {  	s17 =	simm.s32 $0x200;
	[sflag:s8] =	ssyncset.done $0x0  }
.LBB2_2:
0x4b: {  	s18 =	sshra.s32 s17, $0x2;
	[sflag:s8] =	ssyncadd.s32 $0xFFFFFF80;
	p0 =	sne.s32 s17, $0x9C00  }
0x4c: {  	[spmem:s1] =	stream.indirect.scatter.add.f32 [tilespmem:s10], [sflag:$0x1], $0x1, s18, s9, $0xb8;
	[tilespmem:$0x2D80] =	vst v63  }
.Ltmp0:
0x4d: {  	_ = 	snop;
	(pc) =	sbr.rel @p0 .LBB2_2-.Ltmp0, $4  }
0x4e: {  	_ = 	snop  }
0x4f: {  	s17 =	sadd.s32 $0x200, s17  }
0x50: {  	_ =	swait.ge [sflag:s8], $0x80  }
0x51: {  	[sflag:s8] =	ssyncset.done $0x0  }
0x52: {  	s16 =	sadd.s32 $0x1, s16  }
0x53: {  	[sflag:s8] =	ssyncadd.s32 $0xFFFFFF80;
	p0 =	sne.s32 s16, s6  }
.Ltmp1:
0x54: {  	[bflag:$0x0] =	sbarrier.arrive $0xFFFF;
	(pc) =	sbr.rel @p0 .LBB2_1-.Ltmp1, $4  }
0x55: {  	[hbm:s11@s14], [sflag:s12] =	dma.strided [spmem:s13@s15], $0x50, s8, $0x10   }
0x56: {  	_ =	swait.ge [sflag:s8], $0x50  }
0x57: {  	[sflag:s8] =	ssyncset.done $0x0  }
0x58: {  	[sflag:s8] =	ssyncadd.s32 $0xFFFFFFB0  }
0x59: {  	_ =	sfence.sel $0x180000  }
0x5a: {  	[bflag:$0x0] =	sbarrier.arrive $0xFFFF  }
0x5b: {  	p0 =	sne.s32 s2, $0x0;
	_ =	strace $0x90000047  }
0x5c: {  	s0 =	sadd.s32 @!p0 $0x100000, s0;
	[bflag:$0x2] =	sbarrier.arrive $0xFFFF  }
0x5d: {  	[sflag:s0] =	ssyncadd.tile.s32 @!p0 $0x1;
	_ =	shalt  }
.Lfunc_end2:
_tile_overlayer_lowered:
.L_overlay_start_2:
0x5e: {  	(tag) =	ssettag $0x2  }
0x5f: {  	s0 =	rddreg [dreg:$0x0];
	s2 =	stileid.u32  }
0x60: {  	s1 =	rddreg [dreg:$0x1];
	p0 =	sne.s32 s2, $0x0  }
0x61: {  	s3 =	rddreg [dreg:$0x2];
	[bflag:$0x3] =	sbarrier.arrive $0xFFFF;
	s2 =	simm.s32 @!p0 $0x1C01  }
0x62: {  	[timem:s3], [sflag:s2] =	dma.local @!p0 [hbm:s0], s1  }
0x63: {  	s0 =	simm.s32 @!p0 $0x1  }
0x64: {  	_ =	swait.ge @!p0 [sflag:s0], s1  }
0x65: {  	s1 =	ssub.s32 @!p0 $0x0, s1;
	[sflag:s0] =	ssyncset.done @!p0 $0x0  }
0x66: {  	[sflag:s0] =	ssyncadd.s32 @!p0 s1  }
0x67: {  	[bflag:$0x3] =	sbarrier.arrive $0xFFFF  }
0x68: {  	_ =	shalt  }

</sc_bundles>
